<compile_context>
chip_gen: v7x
topology: tpu7x:2x2x1
jax: 0.10.2.dev20260603
libtpu: 0.0.44.dev20260713+nightly
codegen_flags: <defaults>
</compile_context>

<pallas_src>
import jax
import jax.numpy as jnp
from jax import lax
from jax.experimental import pallas as pl
from jax.experimental.pallas import tpu as pltpu
from jax.experimental.pallas import tpu_sc as plsc

N = 100000
D = 128
S = 512
NC = 2
NS = 16
NW = NC * NS
CH = 96
NFULL = N // CH
TAIL = N - NFULL * CH
CPW = 32
NLEFT = NFULL - CPW * NW
SROWS = S // NS
BLK = 2 * CH
BPW = CPW // 2
NSLOT = 4
AHEAD = 2


def _seg_body(x_hbm, b_hbm, b2d_hbm, out_hbm,
              xb0, xb1, xb2, xb3, idx_v, il, idx_t, rows_t, zbuf, acc_sh,
              gs0, gs1, gs2, gs3, ss0, ss1, ss2, ss3):
    c = lax.axis_index("c")
    s = lax.axis_index("s")
    wid = c * NS + s
    row0 = wid * CPW * CH

    xbs = (xb0, xb1, xb2, xb3)
    gss = (gs0, gs1, gs2, gs3)
    sss = (ss0, ss1, ss2, ss3)

    gcopies = [None] * BPW
    scopies = [None] * BPW

    def fire_gather(b):
        sl = b % NSLOT
        r = row0 + b * BLK
        gcopies[b] = pltpu.async_copy(x_hbm.at[pl.ds(r, BLK)], xbs[sl],
                                      gss[sl])

    def fire_scatter(b):
        sl = b % NSLOT
        c0 = pltpu.async_copy(xbs[sl].at[pl.ds(0, CH)],
                              acc_sh.at[idx_v.at[2 * b]], sss[sl], add=True)
        c1 = pltpu.async_copy(xbs[sl].at[pl.ds(CH, CH)],
                              acc_sh.at[idx_v.at[2 * b + 1]], sss[sl],
                              add=True)
        scopies[b] = (c0, c1)

    idma = pltpu.async_copy(b2d_hbm.at[pl.ds(wid * CPW, CPW)], idx_v, gs0)

    for p in range(AHEAD):
        fire_gather(p)

    zv = jnp.zeros((16,), jnp.float32)

    def _zrow(i, carry):
        for j in range(D // 16):
            zbuf[i, pl.ds(j * 16, 16)] = zv
        return carry

    lax.fori_loop(0, SROWS, _zrow, 0)
    pltpu.sync_copy(zbuf, acc_sh.at[pl.ds(s * SROWS, SROWS)])
    idma.wait()
    plsc.subcore_barrier()

    for b in range(BPW):
        gcopies[b].wait()
        fire_scatter(b)
        p = b + AHEAD
        if p < BPW:
            prev = p - NSLOT
            if prev >= 0:
                scopies[prev][0].wait()
                scopies[prev][1].wait()
            fire_gather(p)
    for b in range(BPW - NSLOT, BPW):
        scopies[b][0].wait()
        scopies[b][1].wait()

    @pl.when(wid < NLEFT)
    def _():
        r = (CPW * NW + wid) * CH
        pltpu.sync_copy(b_hbm.at[pl.ds(r, CH)], il)
        pltpu.sync_copy(x_hbm.at[pl.ds(r, CH)], xb0.at[pl.ds(0, CH)])
        pltpu.sync_copy(xb0.at[pl.ds(0, CH)], acc_sh.at[il], add=True)

    @pl.when(wid == NW - 1)
    def _():
        pltpu.sync_copy(b_hbm.at[pl.ds(NFULL * CH, TAIL)], idx_t)
        pltpu.sync_copy(x_hbm.at[pl.ds(NFULL * CH, TAIL)], rows_t)
        pltpu.sync_copy(rows_t, acc_sh.at[idx_t], add=True)

    plsc.subcore_barrier()

    pltpu.sync_copy(acc_sh.at[pl.ds(s * SROWS, SROWS)],
                    out_hbm.at[pl.ds(c * S + s * SROWS, SROWS)])


_seg_sum = pl.kernel(
    _seg_body,
    mesh=plsc.VectorSubcoreMesh(core_axis_name="c", subcore_axis_name="s"),
    out_type=jax.ShapeDtypeStruct((NC * S, D), jnp.float32),
    scratch_types=(
        [pltpu.VMEM((BLK, D), jnp.float32) for _ in range(NSLOT)]
        + [
            pltpu.VMEM((CPW, CH), jnp.int32),
            pltpu.VMEM((CH,), jnp.int32),
            pltpu.VMEM((TAIL,), jnp.int32),
            pltpu.VMEM((TAIL, D), jnp.float32),
            pltpu.VMEM((SROWS, D), jnp.float32),
            pltpu.VMEM_SHARED((S, D), jnp.float32),
        ]
        + [pltpu.SemaphoreType.DMA for _ in range(2 * NSLOT)]
    ),
)


def _mlp_body(parts_ref, u_ref, w1_ref, b1_ref, w2_ref, b2_ref, out_ref):
    agg = parts_ref[0:S, :] + parts_ref[S:2 * S, :]
    h = (jnp.dot(u_ref[...], w1_ref[0:D, :],
                 preferred_element_type=jnp.float32)
         + jnp.dot(agg, w1_ref[D:2 * D, :],
                   preferred_element_type=jnp.float32)
         + b1_ref[...])
    h = jnp.maximum(h, 0.0)
    o = jnp.dot(h, w2_ref[...], preferred_element_type=jnp.float32) \
        + b2_ref[...]
    out_ref[...] = jnp.maximum(o, 0.0)


_mlp = pl.pallas_call(
    _mlp_body,
    out_shape=jax.ShapeDtypeStruct((S, D), jnp.float32),
)


@jax.jit
def kernel(x, edge_index, edge_attr, u, batch, W1, b1, W2, b2):
    del edge_index, edge_attr
    b32 = batch.astype(jnp.int32)
    b2d = b32[:NFULL * CH].reshape(NFULL, CH)
    parts = _seg_sum(x, b32, b2d)
    return _mlp(parts, u, W1, b1.reshape(1, D), W2, b2.reshape(1, D))

# --- scband reference (transcript-rebuilt; emitter-appended) ---
"""Pipeline reference for scband-global-model-7584912245436 (READ-ONLY COPY).

The authoritative reference and input builder live on the scoring server;
editing this copy changes nothing except your own understanding.
"""

import jax, jax.numpy as jnp
import numpy as np

NUM_GRAPHS = 512

def setup_inputs(seed: int = 0) -> dict:
    key = jax.random.key(seed)
    k = jax.random.split(key, 10)
    x = jax.random.normal(k[0], (100000, 128), dtype=jnp.float32)
    edge_index = jax.random.randint(k[1], (2, 1600000), 0, 100000, dtype=jnp.int64)
    edge_attr = jax.random.normal(k[2], (1600000, 4), dtype=jnp.float32)
    u = jax.random.normal(k[3], (NUM_GRAPHS, 128), dtype=jnp.float32)
    batch = jnp.sort(jax.random.randint(k[4], (100000,), 0, NUM_GRAPHS, dtype=jnp.int64))
    # Learned params: Linear(global_in_dim + hidden_dim -> hidden_dim), Linear(hidden_dim -> hidden_dim)
    W1 = jax.random.normal(k[5], (256, 128), dtype=jnp.float32) * (1.0 / np.sqrt(256))
    b1 = jnp.zeros((128,), dtype=jnp.float32)
    W2 = jax.random.normal(k[6], (128, 128), dtype=jnp.float32) * (1.0 / np.sqrt(128))
    b2 = jnp.zeros((128,), dtype=jnp.float32)
    return {"x": x, "edge_index": edge_index, "edge_attr": edge_attr, "u": u, "batch": batch, "W1": W1, "b1": b1, "W2": W2, "b2": b2}

def reference(x, edge_index, edge_attr, u, batch, W1, b1, W2, b2):
    # scatter_sum(x, batch, dim=0): segment-sum node features into per-graph aggregates
    node_agg = jax.ops.segment_sum(x, batch, num_segments=NUM_GRAPHS)
    out = jnp.concatenate([u, node_agg], axis=1)
    h = jax.nn.relu(out @ W1 + b1)
    h = jax.nn.relu(h @ W2 + b2)
    return h

if __name__ == "__main__":
    import jax
    _d = setup_inputs()
    print(jax.jit(kernel)(*tuple(_d.values())))

</pallas_src>

<mosaic_0001>
#map = affine_map<(d0, d1) -> (0, 0)>
#map1 = affine_map<(d0, d1) -> (0)>
module attributes {stable_mosaic.version = 14 : i64} {
  func.func @_seg_body(%arg0: i32, %arg1: i32, %arg2: memref<100000x128xf32, #tpu.memory_space<hbm>>, %arg3: memref<100000xi32, #tpu.memory_space<hbm>>, %arg4: memref<1041x96xi32, #tpu.memory_space<hbm>>, %arg5: memref<1024x128xf32, #tpu.memory_space<hbm>>, %arg6: memref<192x128xf32, #tpu.memory_space<vmem>>, %arg7: memref<192x128xf32, #tpu.memory_space<vmem>>, %arg8: memref<192x128xf32, #tpu.memory_space<vmem>>, %arg9: memref<192x128xf32, #tpu.memory_space<vmem>>, %arg10: memref<32x96xi32, #tpu.memory_space<vmem>>, %arg11: memref<96xi32, #tpu.memory_space<vmem>>, %arg12: memref<64xi32, #tpu.memory_space<vmem>>, %arg13: memref<64x128xf32, #tpu.memory_space<vmem>>, %arg14: memref<32x128xf32, #tpu.memory_space<vmem>>, %arg15: memref<512x128xf32, #tpu.memory_space<vmem_shared>>, %arg16: memref<!tpu.dma_semaphore, #tpu.memory_space<semaphore_mem>>, %arg17: memref<!tpu.dma_semaphore, #tpu.memory_space<semaphore_mem>>, %arg18: memref<!tpu.dma_semaphore, #tpu.memory_space<semaphore_mem>>, %arg19: memref<!tpu.dma_semaphore, #tpu.memory_space<semaphore_mem>>, %arg20: memref<!tpu.dma_semaphore, #tpu.memory_space<semaphore_mem>>, %arg21: memref<!tpu.dma_semaphore, #tpu.memory_space<semaphore_mem>>, %arg22: memref<!tpu.dma_semaphore, #tpu.memory_space<semaphore_mem>>, %arg23: memref<!tpu.dma_semaphore, #tpu.memory_space<semaphore_mem>>) attributes {dimension_semantics = [#tpu.dimension_semantics<core_parallel>, #tpu.dimension_semantics<subcore_parallel>], iteration_bounds = array<i64: 2, 16>, scalar_prefetch = 0 : i64, scratch_operands = 18 : i64, tpu.core_type = #tpu.core_type<sc_vector_subcore>, window_params = [{transform_indices = #map}, {transform_indices = #map1}, {transform_indices = #map}, {transform_indices = #map}]} {
    %mul3A = arith.constant 16 : i32
    %mul3A_0 = arith.muli %arg0, %mul3A : i32
    %add3A = arith.addi %mul3A_0, %arg1 : i32
    %mul3A_1 = arith.constant 32 : i32
    %mul3A_2 = arith.muli %add3A, %mul3A_1 : i32
    %mul3A_3 = arith.constant 96 : i32
    %mul3A_4 = arith.muli %mul3A_2, %mul3A_3 : i32
    %mul3A_5 = arith.constant 32 : i32
    %mul3A_6 = arith.muli %add3A, %mul3A_5 : i32
    %dma_start3A = arith.constant 0 : i32
    %dma_start3A_7 = tpu.memref_slice %arg4[%mul3A_6, %dma_start3A] : memref<1041x96xi32, #tpu.memory_space<hbm>> -> memref<32x96xi32, #tpu.memory_space<hbm>>
    %dma_start3A_8 = arith.constant 0 : i32
    %dma_start3A_9 = tpu.memref_slice %arg4[%mul3A_6, %dma_start3A_8] : memref<1041x96xi32, #tpu.memory_space<hbm>> -> memref<32x96xi32, #tpu.memory_space<hbm>>
    tpu.enqueue_dma source(%dma_start3A_9 : memref<32x96xi32, #tpu.memory_space<hbm>>) target(%arg10 : memref<32x96xi32, #tpu.memory_space<vmem>>) target_semaphore(%arg16 : memref<!tpu.dma_semaphore, #tpu.memory_space<semaphore_mem>>)
    %add3A_10 = arith.constant 0 : i32
    %add3A_11 = arith.addi %mul3A_4, %add3A_10 : i32
    %dma_start3A_12 = arith.constant 0 : i32
    %dma_start3A_13 = tpu.memref_slice %arg2[%add3A_11, %dma_start3A_12] : memref<100000x128xf32, #tpu.memory_space<hbm>> -> memref<192x128xf32, #tpu.memory_space<hbm>>
    %dma_start3A_14 = arith.constant 0 : i32
    %dma_start3A_15 = tpu.memref_slice %arg2[%add3A_11, %dma_start3A_14] : memref<100000x128xf32, #tpu.memory_space<hbm>> -> memref<192x128xf32, #tpu.memory_space<hbm>>
    tpu.enqueue_dma source(%dma_start3A_15 : memref<192x128xf32, #tpu.memory_space<hbm>>) target(%arg6 : memref<192x128xf32, #tpu.memory_space<vmem>>) target_semaphore(%arg16 : memref<!tpu.dma_semaphore, #tpu.memory_space<semaphore_mem>>)
    %add3A_16 = arith.constant 192 : i32
    %add3A_17 = arith.addi %mul3A_4, %add3A_16 : i32
    %dma_start3A_18 = arith.constant 0 : i32
    %dma_start3A_19 = tpu.memref_slice %arg2[%add3A_17, %dma_start3A_18] : memref<100000x128xf32, #tpu.memory_space<hbm>> -> memref<192x128xf32, #tpu.memory_space<hbm>>
    %dma_start3A_20 = arith.constant 0 : i32
    %dma_start3A_21 = tpu.memref_slice %arg2[%add3A_17, %dma_start3A_20] : memref<100000x128xf32, #tpu.memory_space<hbm>> -> memref<192x128xf32, #tpu.memory_space<hbm>>
    tpu.enqueue_dma source(%dma_start3A_21 : memref<192x128xf32, #tpu.memory_space<hbm>>) target(%arg7 : memref<192x128xf32, #tpu.memory_space<vmem>>) target_semaphore(%arg17 : memref<!tpu.dma_semaphore, #tpu.memory_space<semaphore_mem>>)
    %broadcast_in_dim3A = arith.constant 0.000000e+00 : f32
    %broadcast_in_dim3A_22 = vector.broadcast %broadcast_in_dim3A : f32 to vector<16xf32>
    %scan3A = arith.constant 0 : i32
    %scan3A_23 = arith.constant 0 : i32
    %scan3A_24 = arith.constant 32 : i32
    %scan3A_25 = arith.addi %scan3A_23, %scan3A_24 : i32
    %scan3A_26 = arith.constant 1 : i32
    scf.for %scan3A_835 = %scan3A_23 to %scan3A_25 step %scan3A_26  : i32 {
      %swap3A = arith.index_cast %scan3A_835 : i32 to index
      %swap3A_836 = arith.constant 0 : index
      %swap3A_837 = tpu.vector_load %arg14[%swap3A, %swap3A_836] {strides = array<i32>} : memref<32x128xf32, #tpu.memory_space<vmem>>, vector<1x16xf32>,
      %swap3A_838 = vector.shape_cast %swap3A_837 : vector<1x16xf32> to vector<16xf32>
      %swap3A_839 = vector.shape_cast %broadcast_in_dim3A_22 : vector<16xf32> to vector<1x16xf32>
      tpu.vector_store %arg14[%swap3A, %swap3A_836], %swap3A_839 {strides = array<i32>} : memref<32x128xf32, #tpu.memory_space<vmem>>, vector<1x16xf32>,
      %swap3A_840 = arith.index_cast %scan3A_835 : i32 to index
      %swap3A_841 = arith.constant 16 : index
      %swap3A_842 = tpu.vector_load %arg14[%swap3A_840, %swap3A_841] {strides = array<i32>} : memref<32x128xf32, #tpu.memory_space<vmem>>, vector<1x16xf32>,
      %swap3A_843 = vector.shape_cast %swap3A_842 : vector<1x16xf32> to vector<16xf32>
      %swap3A_844 = vector.shape_cast %broadcast_in_dim3A_22 : vector<16xf32> to vector<1x16xf32>
      tpu.vector_store %arg14[%swap3A_840, %swap3A_841], %swap3A_844 {strides = array<i32>} : memref<32x128xf32, #tpu.memory_space<vmem>>, vector<1x16xf32>,
      %swap3A_845 = arith.index_cast %scan3A_835 : i32 to index
      %swap3A_846 = arith.constant 32 : index
      %swap3A_847 = tpu.vector_load %arg14[%swap3A_845, %swap3A_846] {strides = array<i32>} : memref<32x128xf32, #tpu.memory_space<vmem>>, vector<1x16xf32>,
      %swap3A_848 = vector.shape_cast %swap3A_847 : vector<1x16xf32> to vector<16xf32>
      %swap3A_849 = vector.shape_cast %broadcast_in_dim3A_22 : vector<16xf32> to vector<1x16xf32>
      tpu.vector_store %arg14[%swap3A_845, %swap3A_846], %swap3A_849 {strides = array<i32>} : memref<32x128xf32, #tpu.memory_space<vmem>>, vector<1x16xf32>,
      %swap3A_850 = arith.index_cast %scan3A_835 : i32 to index
      %swap3A_851 = arith.constant 48 : index
      %swap3A_852 = tpu.vector_load %arg14[%swap3A_850, %swap3A_851] {strides = array<i32>} : memref<32x128xf32, #tpu.memory_space<vmem>>, vector<1x16xf32>,
      %swap3A_853 = vector.shape_cast %swap3A_852 : vector<1x16xf32> to vector<16xf32>
      %swap3A_854 = vector.shape_cast %broadcast_in_dim3A_22 : vector<16xf32> to vector<1x16xf32>
      tpu.vector_store %arg14[%swap3A_850, %swap3A_851], %swap3A_854 {strides = array<i32>} : memref<32x128xf32, #tpu.memory_space<vmem>>, vector<1x16xf32>,
      %swap3A_855 = arith.index_cast %scan3A_835 : i32 to index
      %swap3A_856 = arith.constant 64 : index
      %swap3A_857 = tpu.vector_load %arg14[%swap3A_855, %swap3A_856] {strides = array<i32>} : memref<32x128xf32, #tpu.memory_space<vmem>>, vector<1x16xf32>,
      %swap3A_858 = vector.shape_cast %swap3A_857 : vector<1x16xf32> to vector<16xf32>
      %swap3A_859 = vector.shape_cast %broadcast_in_dim3A_22 : vector<16xf32> to vector<1x16xf32>
      tpu.vector_store %arg14[%swap3A_855, %swap3A_856], %swap3A_859 {strides = array<i32>} : memref<32x128xf32, #tpu.memory_space<vmem>>, vector<1x16xf32>,
      %swap3A_860 = arith.index_cast %scan3A_835 : i32 to index
      %swap3A_861 = arith.constant 80 : index
      %swap3A_862 = tpu.vector_load %arg14[%swap3A_860, %swap3A_861] {strides = array<i32>} : memref<32x128xf32, #tpu.memory_space<vmem>>, vector<1x16xf32>,
      %swap3A_863 = vector.shape_cast %swap3A_862 : vector<1x16xf32> to vector<16xf32>
      %swap3A_864 = vector.shape_cast %broadcast_in_dim3A_22 : vector<16xf32> to vector<1x16xf32>
      tpu.vector_store %arg14[%swap3A_860, %swap3A_861], %swap3A_864 {strides = array<i32>} : memref<32x128xf32, #tpu.memory_space<vmem>>, vector<1x16xf32>,
      %swap3A_865 = arith.index_cast %scan3A_835 : i32 to index
      %swap3A_866 = arith.constant 96 : index
      %swap3A_867 = tpu.vector_load %arg14[%swap3A_865, %swap3A_866] {strides = array<i32>} : memref<32x128xf32, #tpu.memory_space<vmem>>, vector<1x16xf32>,
      %swap3A_868 = vector.shape_cast %swap3A_867 : vector<1x16xf32> to vector<16xf32>
      %swap3A_869 = vector.shape_cast %broadcast_in_dim3A_22 : vector<16xf32> to vector<1x16xf32>
      tpu.vector_store %arg14[%swap3A_865, %swap3A_866], %swap3A_869 {strides = array<i32>} : memref<32x128xf32, #tpu.memory_space<vmem>>, vector<1x16xf32>,
      %swap3A_870 = arith.index_cast %scan3A_835 : i32 to index
      %swap3A_871 = arith.constant 112 : index
      %swap3A_872 = tpu.vector_load %arg14[%swap3A_870, %swap3A_871] {strides = array<i32>} : memref<32x128xf32, #tpu.memory_space<vmem>>, vector<1x16xf32>,
      %swap3A_873 = vector.shape_cast %swap3A_872 : vector<1x16xf32> to vector<16xf32>
      %swap3A_874 = vector.shape_cast %broadcast_in_dim3A_22 : vector<16xf32> to vector<1x16xf32>
      tpu.vector_store %arg14[%swap3A_870, %swap3A_871], %swap3A_874 {strides = array<i32>} : memref<32x128xf32, #tpu.memory_space<vmem>>, vector<1x16xf32>,
    }
    %scan3A_27 = arith.constant 32 : i32
    %mul3A_28 = arith.constant 32 : i32
    %mul3A_29 = arith.muli %arg1, %mul3A_28 : i32
    "tpu.region"() ({
      %run_scoped3A = tpu.sem_alloc : memref<!tpu.dma_semaphore, #tpu.memory_space<semaphore_mem>>
      %dma_start3A_835 = arith.constant 0 : i32
      %dma_start3A_836 = tpu.memref_slice %arg15[%mul3A_29, %dma_start3A_835] : memref<512x128xf32, #tpu.memory_space<vmem_shared>> -> memref<32x128xf32, #tpu.memory_space<vmem_shared>>
      %dma_start3A_837 = arith.constant 0 : i32
      %dma_start3A_838 = tpu.memref_slice %arg15[%mul3A_29, %dma_start3A_837] : memref<512x128xf32, #tpu.memory_space<vmem_shared>> -> memref<32x128xf32, #tpu.memory_space<vmem_shared>>
      tpu.enqueue_dma source(%arg14 : memref<32x128xf32, #tpu.memory_space<vmem>>) target(%dma_start3A_838 : memref<32x128xf32, #tpu.memory_space<vmem_shared>>) target_semaphore(%run_scoped3A : memref<!tpu.dma_semaphore, #tpu.memory_space<semaphore_mem>>)
      %dma_wait3A_839 = arith.constant 0 : i32
      %dma_wait3A_840 = tpu.memref_slice %arg15[%mul3A_29, %dma_wait3A_839] : memref<512x128xf32, #tpu.memory_space<vmem_shared>> -> memref<32x128xf32, #tpu.memory_space<vmem_shared>>
      %dma_wait3A_841 = arith.constant 0 : i32
      %dma_wait3A_842 = tpu.memref_slice %arg15[%mul3A_29, %dma_wait3A_841] : memref<512x128xf32, #tpu.memory_space<vmem_shared>> -> memref<32x128xf32, #tpu.memory_space<vmem_shared>>
      tpu.wait_dma2 semaphore(%run_scoped3A : memref<!tpu.dma_semaphore, #tpu.memory_space<semaphore_mem>>) src(%arg14 : memref<32x128xf32, #tpu.memory_space<vmem>>) dst(%dma_wait3A_842 : memref<32x128xf32, #tpu.memory_space<vmem_shared>>)
      tpu.yield
    }) : () -> ()
    %dma_wait3A = arith.constant 0 : i32
    %dma_wait3A_30 = tpu.memref_slice %arg4[%mul3A_6, %dma_wait3A] : memref<1041x96xi32, #tpu.memory_space<hbm>> -> memref<32x96xi32, #tpu.memory_space<hbm>>
    %dma_wait3A_31 = arith.constant 0 : i32
    %dma_wait3A_32 = tpu.memref_slice %arg4[%mul3A_6, %dma_wait3A_31] : memref<1041x96xi32, #tpu.memory_space<hbm>> -> memref<32x96xi32, #tpu.memory_space<hbm>>
    tpu.wait_dma2 semaphore(%arg16 : memref<!tpu.dma_semaphore, #tpu.memory_space<semaphore_mem>>) src(%dma_wait3A_32 : memref<32x96xi32, #tpu.memory_space<hbm>>) dst(%arg10 : memref<32x96xi32, #tpu.memory_space<vmem>>)
    %barrier3A = arith.constant 0 : index
    tpu.barrier barrier_id(%barrier3A)
    %dma_wait3A_33 = arith.constant 0 : i32
    %dma_wait3A_34 = tpu.memref_slice %arg2[%add3A_11, %dma_wait3A_33] : memref<100000x128xf32, #tpu.memory_space<hbm>> -> memref<192x128xf32, #tpu.memory_space<hbm>>
    %dma_wait3A_35 = arith.constant 0 : i32
    %dma_wait3A_36 = tpu.memref_slice %arg2[%add3A_11, %dma_wait3A_35] : memref<100000x128xf32, #tpu.memory_space<hbm>> -> memref<192x128xf32, #tpu.memory_space<hbm>>
    tpu.wait_dma2 semaphore(%arg16 : memref<!tpu.dma_semaphore, #tpu.memory_space<semaphore_mem>>) src(%dma_wait3A_36 : memref<192x128xf32, #tpu.memory_space<hbm>>) dst(%arg6 : memref<192x128xf32, #tpu.memory_space<vmem>>)
    %dma_start3A_37 = arith.constant 0 : i32
    %dma_start3A_38 = arith.constant 0 : i32
    %dma_start3A_39 = arith.constant 0 : i32
    %dma_start3A_40 = tpu.memref_slice %arg6[%dma_start3A_38, %dma_start3A_39] : memref<192x128xf32, #tpu.memory_space<vmem>> -> memref<96x128xf32, #tpu.memory_space<vmem>>
    %dma_start3A_41 = arith.constant 0 : i32
    %dma_start3A_42 = tpu.memref_slice %arg10[%dma_start3A_37, %dma_start3A_41] : memref<32x96xi32, #tpu.memory_space<vmem>> -> memref<1x96xi32, #tpu.memory_space<vmem>>
    %dma_start3A_43 = tpu.memref_squeeze %dma_start3A_42 : memref<1x96xi32, #tpu.memory_space<vmem>> -> memref<96xi32, #tpu.memory_space<vmem>>
    %dma_start3A_44 = arith.constant 0 : i32
    %dma_start3A_45 = arith.constant 0 : i32
    %dma_start3A_46 = tpu.memref_slice %arg15[%dma_start3A_44, %dma_start3A_45] : memref<512x128xf32, #tpu.memory_space<vmem_shared>> -> memref<512x128xf32, #tpu.memory_space<vmem_shared>>
    tpu.enqueue_indirect_dma source(%dma_start3A_40 : memref<96x128xf32, #tpu.memory_space<vmem>>) target(%dma_start3A_46 : memref<512x128xf32, #tpu.memory_space<vmem_shared>>) offsets(%dma_start3A_43 : memref<96xi32, #tpu.memory_space<vmem>>) semaphore(%arg20 : memref<!tpu.dma_semaphore, #tpu.memory_space<semaphore_mem>>) {add = true}
    %dma_start3A_47 = arith.constant 1 : i32
    %dma_start3A_48 = arith.constant 96 : i32
    %dma_start3A_49 = arith.constant 0 : i32
    %dma_start3A_50 = tpu.memref_slice %arg6[%dma_start3A_48, %dma_start3A_49] : memref<192x128xf32, #tpu.memory_space<vmem>> -> memref<96x128xf32, #tpu.memory_space<vmem>>
    %dma_start3A_51 = arith.constant 0 : i32
    %dma_start3A_52 = tpu.memref_slice %arg10[%dma_start3A_47, %dma_start3A_51] : memref<32x96xi32, #tpu.memory_space<vmem>> -> memref<1x96xi32, #tpu.memory_space<vmem>>
    %dma_start3A_53 = tpu.memref_squeeze %dma_start3A_52 : memref<1x96xi32, #tpu.memory_space<vmem>> -> memref<96xi32, #tpu.memory_space<vmem>>
    %dma_start3A_54 = arith.constant 0 : i32
    %dma_start3A_55 = arith.constant 0 : i32
    %dma_start3A_56 = tpu.memref_slice %arg15[%dma_start3A_54, %dma_start3A_55] : memref<512x128xf32, #tpu.memory_space<vmem_shared>> -> memref<512x128xf32, #tpu.memory_space<vmem_shared>>
    tpu.enqueue_indirect_dma source(%dma_start3A_50 : memref<96x128xf32, #tpu.memory_space<vmem>>) target(%dma_start3A_56 : memref<512x128xf32, #tpu.memory_space<vmem_shared>>) offsets(%dma_start3A_53 : memref<96xi32, #tpu.memory_space<vmem>>) semaphore(%arg20 : memref<!tpu.dma_semaphore, #tpu.memory_space<semaphore_mem>>) {add = true}
    %add3A_57 = arith.constant 384 : i32
    %add3A_58 = arith.addi %mul3A_4, %add3A_57 : i32
    %dma_start3A_59 = arith.constant 0 : i32
    %dma_start3A_60 = tpu.memref_slice %arg2[%add3A_58, %dma_start3A_59] : memref<100000x128xf32, #tpu.memory_space<hbm>> -> memref<192x128xf32, #tpu.memory_space<hbm>>
    %dma_start3A_61 = arith.constant 0 : i32
    %dma_start3A_62 = tpu.memref_slice %arg2[%add3A_58, %dma_start3A_61] : memref<100000x128xf32, #tpu.memory_space<hbm>> -> memref<192x128xf32, #tpu.memory_space<hbm>>
    tpu.enqueue_dma source(%dma_start3A_62 : memref<192x128xf32, #tpu.memory_space<hbm>>) target(%arg8 : memref<192x128xf32, #tpu.memory_space<vmem>>) target_semaphore(%arg18 : memref<!tpu.dma_semaphore, #tpu.memory_space<semaphore_mem>>)
    %dma_wait3A_63 = arith.constant 0 : i32
    %dma_wait3A_64 = tpu.memref_slice %arg2[%add3A_17, %dma_wait3A_63] : memref<100000x128xf32, #tpu.memory_space<hbm>> -> memref<192x128xf32, #tpu.memory_space<hbm>>
    %dma_wait3A_65 = arith.constant 0 : i32
    %dma_wait3A_66 = tpu.memref_slice %arg2[%add3A_17, %dma_wait3A_65] : memref<100000x128xf32, #tpu.memory_space<hbm>> -> memref<192x128xf32, #tpu.memory_space<hbm>>
    tpu.wait_dma2 semaphore(%arg17 : memref<!tpu.dma_semaphore, #tpu.memory_space<semaphore_mem>>) src(%dma_wait3A_66 : memref<192x128xf32, #tpu.memory_space<hbm>>) dst(%arg7 : memref<192x128xf32, #tpu.memory_space<vmem>>)
    %dma_start3A_67 = arith.constant 2 : i32
    %dma_start3A_68 = arith.constant 0 : i32
    %dma_start3A_69 = arith.constant 0 : i32
    %dma_start3A_70 = tpu.memref_slice %arg7[%dma_start3A_68, %dma_start3A_69] : memref<192x128xf32, #tpu.memory_space<vmem>> -> memref<96x128xf32, #tpu.memory_space<vmem>>
    %dma_start3A_71 = arith.constant 0 : i32
    %dma_start3A_72 = tpu.memref_slice %arg10[%dma_start3A_67, %dma_start3A_71] : memref<32x96xi32, #tpu.memory_space<vmem>> -> memref<1x96xi32, #tpu.memory_space<vmem>>
    %dma_start3A_73 = tpu.memref_squeeze %dma_start3A_72 : memref<1x96xi32, #tpu.memory_space<vmem>> -> memref<96xi32, #tpu.memory_space<vmem>>
    %dma_start3A_74 = arith.constant 0 : i32
    %dma_start3A_75 = arith.constant 0 : i32
    %dma_start3A_76 = tpu.memref_slice %arg15[%dma_start3A_74, %dma_start3A_75] : memref<512x128xf32, #tpu.memory_space<vmem_shared>> -> memref<512x128xf32, #tpu.memory_space<vmem_shared>>
    tpu.enqueue_indirect_dma source(%dma_start3A_70 : memref<96x128xf32, #tpu.memory_space<vmem>>) target(%dma_start3A_76 : memref<512x128xf32, #tpu.memory_space<vmem_shared>>) offsets(%dma_start3A_73 : memref<96xi32, #tpu.memory_space<vmem>>) semaphore(%arg21 : memref<!tpu.dma_semaphore, #tpu.memory_space<semaphore_mem>>) {add = true}
    %dma_start3A_77 = arith.constant 3 : i32
    %dma_start3A_78 = arith.constant 96 : i32
    %dma_start3A_79 = arith.constant 0 : i32
    %dma_start3A_80 = tpu.memref_slice %arg7[%dma_start3A_78, %dma_start3A_79] : memref<192x128xf32, #tpu.memory_space<vmem>> -> memref<96x128xf32, #tpu.memory_space<vmem>>
    %dma_start3A_81 = arith.constant 0 : i32
    %dma_start3A_82 = tpu.memref_slice %arg10[%dma_start3A_77, %dma_start3A_81] : memref<32x96xi32, #tpu.memory_space<vmem>> -> memref<1x96xi32, #tpu.memory_space<vmem>>
    %dma_start3A_83 = tpu.memref_squeeze %dma_start3A_82 : memref<1x96xi32, #tpu.memory_space<vmem>> -> memref<96xi32, #tpu.memory_space<vmem>>
    %dma_start3A_84 = arith.constant 0 : i32
    %dma_start3A_85 = arith.constant 0 : i32
    %dma_start3A_86 = tpu.memref_slice %arg15[%dma_start3A_84, %dma_start3A_85] : memref<512x128xf32, #tpu.memory_space<vmem_shared>> -> memref<512x128xf32, #tpu.memory_space<vmem_shared>>
    tpu.enqueue_indirect_dma source(%dma_start3A_80 : memref<96x128xf32, #tpu.memory_space<vmem>>) target(%dma_start3A_86 : memref<512x128xf32, #tpu.memory_space<vmem_shared>>) offsets(%dma_start3A_83 : memref<96xi32, #tpu.memory_space<vmem>>) semaphore(%arg21 : memref<!tpu.dma_semaphore, #tpu.memory_space<semaphore_mem>>) {add = true}
    %add3A_87 = arith.constant 576 : i32
    %add3A_88 = arith.addi %mul3A_4, %add3A_87 : i32
    %dma_start3A_89 = arith.constant 0 : i32
    %dma_start3A_90 = tpu.memref_slice %arg2[%add3A_88, %dma_start3A_89] : memref<100000x128xf32, #tpu.memory_space<hbm>> -> memref<192x128xf32, #tpu.memory_space<hbm>>
    %dma_start3A_91 = arith.constant 0 : i32
    %dma_start3A_92 = tpu.memref_slice %arg2[%add3A_88, %dma_start3A_91] : memref<100000x128xf32, #tpu.memory_space<hbm>> -> memref<192x128xf32, #tpu.memory_space<hbm>>
    tpu.enqueue_dma source(%dma_start3A_92 : memref<192x128xf32, #tpu.memory_space<hbm>>) target(%arg9 : memref<192x128xf32, #tpu.memory_space<vmem>>) target_semaphore(%arg19 : memref<!tpu.dma_semaphore, #tpu.memory_space<semaphore_mem>>)
    %dma_wait3A_93 = arith.constant 0 : i32
    %dma_wait3A_94 = tpu.memref_slice %arg2[%add3A_58, %dma_wait3A_93] : memref<100000x128xf32, #tpu.memory_space<hbm>> -> memref<192x128xf32, #tpu.memory_space<hbm>>
    %dma_wait3A_95 = arith.constant 0 : i32
    %dma_wait3A_96 = tpu.memref_slice %arg2[%add3A_58, %dma_wait3A_95] : memref<100000x128xf32, #tpu.memory_space<hbm>> -> memref<192x128xf32, #tpu.memory_space<hbm>>
    tpu.wait_dma2 semaphore(%arg18 : memref<!tpu.dma_semaphore, #tpu.memory_space<semaphore_mem>>) src(%dma_wait3A_96 : memref<192x128xf32, #tpu.memory_space<hbm>>) dst(%arg8 : memref<192x128xf32, #tpu.memory_space<vmem>>)
    %dma_start3A_97 = arith.constant 4 : i32
    %dma_start3A_98 = arith.constant 0 : i32
    %dma_start3A_99 = arith.constant 0 : i32
    %dma_start3A_100 = tpu.memref_slice %arg8[%dma_start3A_98, %dma_start3A_99] : memref<192x128xf32, #tpu.memory_space<vmem>> -> memref<96x128xf32, #tpu.memory_space<vmem>>
    %dma_start3A_101 = arith.constant 0 : i32
    %dma_start3A_102 = tpu.memref_slice %arg10[%dma_start3A_97, %dma_start3A_101] : memref<32x96xi32, #tpu.memory_space<vmem>> -> memref<1x96xi32, #tpu.memory_space<vmem>>
    %dma_start3A_103 = tpu.memref_squeeze %dma_start3A_102 : memref<1x96xi32, #tpu.memory_space<vmem>> -> memref<96xi32, #tpu.memory_space<vmem>>
    %dma_start3A_104 = arith.constant 0 : i32
    %dma_start3A_105 = arith.constant 0 : i32
    %dma_start3A_106 = tpu.memref_slice %arg15[%dma_start3A_104, %dma_start3A_105] : memref<512x128xf32, #tpu.memory_space<vmem_shared>> -> memref<512x128xf32, #tpu.memory_space<vmem_shared>>
    tpu.enqueue_indirect_dma source(%dma_start3A_100 : memref<96x128xf32, #tpu.memory_space<vmem>>) target(%dma_start3A_106 : memref<512x128xf32, #tpu.memory_space<vmem_shared>>) offsets(%dma_start3A_103 : memref<96xi32, #tpu.memory_space<vmem>>) semaphore(%arg22 : memref<!tpu.dma_semaphore, #tpu.memory_space<semaphore_mem>>) {add = true}
    %dma_start3A_107 = arith.constant 5 : i32
    %dma_start3A_108 = arith.constant 96 : i32
    %dma_start3A_109 = arith.constant 0 : i32
    %dma_start3A_110 = tpu.memref_slice %arg8[%dma_start3A_108, %dma_start3A_109] : memref<192x128xf32, #tpu.memory_space<vmem>> -> memref<96x128xf32, #tpu.memory_space<vmem>>
    %dma_start3A_111 = arith.constant 0 : i32
    %dma_start3A_112 = tpu.memref_slice %arg10[%dma_start3A_107, %dma_start3A_111] : memref<32x96xi32, #tpu.memory_space<vmem>> -> memref<1x96xi32, #tpu.memory_space<vmem>>
    %dma_start3A_113 = tpu.memref_squeeze %dma_start3A_112 : memref<1x96xi32, #tpu.memory_space<vmem>> -> memref<96xi32, #tpu.memory_space<vmem>>
    %dma_start3A_114 = arith.constant 0 : i32
    %dma_start3A_115 = arith.constant 0 : i32
    %dma_start3A_116 = tpu.memref_slice %arg15[%dma_start3A_114, %dma_start3A_115] : memref<512x128xf32, #tpu.memory_space<vmem_shared>> -> memref<512x128xf32, #tpu.memory_space<vmem_shared>>
    tpu.enqueue_indirect_dma source(%dma_start3A_110 : memref<96x128xf32, #tpu.memory_space<vmem>>) target(%dma_start3A_116 : memref<512x128xf32, #tpu.memory_space<vmem_shared>>) offsets(%dma_start3A_113 : memref<96xi32, #tpu.memory_space<vmem>>) semaphore(%arg22 : memref<!tpu.dma_semaphore, #tpu.memory_space<semaphore_mem>>) {add = true}
    %dma_wait3A_117 = arith.constant 0 : i32
    %dma_wait3A_118 = arith.constant 0 : i32
    %dma_wait3A_119 = arith.constant 0 : i32
    %dma_wait3A_120 = tpu.memref_slice %arg6[%dma_wait3A_118, %dma_wait3A_119] : memref<192x128xf32, #tpu.memory_space<vmem>> -> memref<96x128xf32, #tpu.memory_space<vmem>>
    %dma_wait3A_121 = arith.constant 0 : i32
    %dma_wait3A_122 = tpu.memref_slice %arg10[%dma_wait3A_117, %dma_wait3A_121] : memref<32x96xi32, #tpu.memory_space<vmem>> -> memref<1x96xi32, #tpu.memory_space<vmem>>
    %dma_wait3A_123 = tpu.memref_squeeze %dma_wait3A_122 : memref<1x96xi32, #tpu.memory_space<vmem>> -> memref<96xi32, #tpu.memory_space<vmem>>
    %dma_wait3A_124 = arith.constant 0 : i32
    %dma_wait3A_125 = arith.constant 0 : i32
    %dma_wait3A_126 = tpu.memref_slice %arg15[%dma_wait3A_124, %dma_wait3A_125] : memref<512x128xf32, #tpu.memory_space<vmem_shared>> -> memref<512x128xf32, #tpu.memory_space<vmem_shared>>
    tpu.wait_indirect_dma semaphore(%arg20 : memref<!tpu.dma_semaphore, #tpu.memory_space<semaphore_mem>>) src(%dma_wait3A_120 : memref<96x128xf32, #tpu.memory_space<vmem>>) dst(%dma_wait3A_126 : memref<512x128xf32, #tpu.memory_space<vmem_shared>>)
    %dma_wait3A_127 = arith.constant 1 : i32
    %dma_wait3A_128 = arith.constant 96 : i32
    %dma_wait3A_129 = arith.constant 0 : i32
    %dma_wait3A_130 = tpu.memref_slice %arg6[%dma_wait3A_128, %dma_wait3A_129] : memref<192x128xf32, #tpu.memory_space<vmem>> -> memref<96x128xf32, #tpu.memory_space<vmem>>
    %dma_wait3A_131 = arith.constant 0 : i32
    %dma_wait3A_132 = tpu.memref_slice %arg10[%dma_wait3A_127, %dma_wait3A_131] : memref<32x96xi32, #tpu.memory_space<vmem>> -> memref<1x96xi32, #tpu.memory_space<vmem>>
    %dma_wait3A_133 = tpu.memref_squeeze %dma_wait3A_132 : memref<1x96xi32, #tpu.memory_space<vmem>> -> memref<96xi32, #tpu.memory_space<vmem>>
    %dma_wait3A_134 = arith.constant 0 : i32
    %dma_wait3A_135 = arith.constant 0 : i32
    %dma_wait3A_136 = tpu.memref_slice %arg15[%dma_wait3A_134, %dma_wait3A_135] : memref<512x128xf32, #tpu.memory_space<vmem_shared>> -> memref<512x128xf32, #tpu.memory_space<vmem_shared>>
    tpu.wait_indirect_dma semaphore(%arg20 : memref<!tpu.dma_semaphore, #tpu.memory_space<semaphore_mem>>) src(%dma_wait3A_130 : memref<96x128xf32, #tpu.memory_space<vmem>>) dst(%dma_wait3A_136 : memref<512x128xf32, #tpu.memory_space<vmem_shared>>)
    %add3A_137 = arith.constant 768 : i32
    %add3A_138 = arith.addi %mul3A_4, %add3A_137 : i32
    %dma_start3A_139 = arith.constant 0 : i32
    %dma_start3A_140 = tpu.memref_slice %arg2[%add3A_138, %dma_start3A_139] : memref<100000x128xf32, #tpu.memory_space<hbm>> -> memref<192x128xf32, #tpu.memory_space<hbm>>
    %dma_start3A_141 = arith.constant 0 : i32
    %dma_start3A_142 = tpu.memref_slice %arg2[%add3A_138, %dma_start3A_141] : memref<100000x128xf32, #tpu.memory_space<hbm>> -> memref<192x128xf32, #tpu.memory_space<hbm>>
    tpu.enqueue_dma source(%dma_start3A_142 : memref<192x128xf32, #tpu.memory_space<hbm>>) target(%arg6 : memref<192x128xf32, #tpu.memory_space<vmem>>) target_semaphore(%arg16 : memref<!tpu.dma_semaphore, #tpu.memory_space<semaphore_mem>>)
    %dma_wait3A_143 = arith.constant 0 : i32
    %dma_wait3A_144 = tpu.memref_slice %arg2[%add3A_88, %dma_wait3A_143] : memref<100000x128xf32, #tpu.memory_space<hbm>> -> memref<192x128xf32, #tpu.memory_space<hbm>>
    %dma_wait3A_145 = arith.constant 0 : i32
    %dma_wait3A_146 = tpu.memref_slice %arg2[%add3A_88, %dma_wait3A_145] : memref<100000x128xf32, #tpu.memory_space<hbm>> -> memref<192x128xf32, #tpu.memory_space<hbm>>
    tpu.wait_dma2 semaphore(%arg19 : memref<!tpu.dma_semaphore, #tpu.memory_space<semaphore_mem>>) src(%dma_wait3A_146 : memref<192x128xf32, #tpu.memory_space<hbm>>) dst(%arg9 : memref<192x128xf32, #tpu.memory_space<vmem>>)
    %dma_start3A_147 = arith.constant 6 : i32
    %dma_start3A_148 = arith.constant 0 : i32
    %dma_start3A_149 = arith.constant 0 : i32
    %dma_start3A_150 = tpu.memref_slice %arg9[%dma_start3A_148, %dma_start3A_149] : memref<192x128xf32, #tpu.memory_space<vmem>> -> memref<96x128xf32, #tpu.memory_space<vmem>>
    %dma_start3A_151 = arith.constant 0 : i32
    %dma_start3A_152 = tpu.memref_slice %arg10[%dma_start3A_147, %dma_start3A_151] : memref<32x96xi32, #tpu.memory_space<vmem>> -> memref<1x96xi32, #tpu.memory_space<vmem>>
    %dma_start3A_153 = tpu.memref_squeeze %dma_start3A_152 : memref<1x96xi32, #tpu.memory_space<vmem>> -> memref<96xi32, #tpu.memory_space<vmem>>
    %dma_start3A_154 = arith.constant 0 : i32
    %dma_start3A_155 = arith.constant 0 : i32
    %dma_start3A_156 = tpu.memref_slice %arg15[%dma_start3A_154, %dma_start3A_155] : memref<512x128xf32, #tpu.memory_space<vmem_shared>> -> memref<512x128xf32, #tpu.memory_space<vmem_shared>>
    tpu.enqueue_indirect_dma source(%dma_start3A_150 : memref<96x128xf32, #tpu.memory_space<vmem>>) target(%dma_start3A_156 : memref<512x128xf32, #tpu.memory_space<vmem_shared>>) offsets(%dma_start3A_153 : memref<96xi32, #tpu.memory_space<vmem>>) semaphore(%arg23 : memref<!tpu.dma_semaphore, #tpu.memory_space<semaphore_mem>>) {add = true}
    %dma_start3A_157 = arith.constant 7 : i32
    %dma_start3A_158 = arith.constant 96 : i32
    %dma_start3A_159 = arith.constant 0 : i32
    %dma_start3A_160 = tpu.memref_slice %arg9[%dma_start3A_158, %dma_start3A_159] : memref<192x128xf32, #tpu.memory_space<vmem>> -> memref<96x128xf32, #tpu.memory_space<vmem>>
    %dma_start3A_161 = arith.constant 0 : i32
    %dma_start3A_162 = tpu.memref_slice %arg10[%dma_start3A_157, %dma_start3A_161] : memref<32x96xi32, #tpu.memory_space<vmem>> -> memref<1x96xi32, #tpu.memory_space<vmem>>
    %dma_start3A_163 = tpu.memref_squeeze %dma_start3A_162 : memref<1x96xi32, #tpu.memory_space<vmem>> -> memref<96xi32, #tpu.memory_space<vmem>>
    %dma_start3A_164 = arith.constant 0 : i32
    %dma_start3A_165 = arith.constant 0 : i32
    %dma_start3A_166 = tpu.memref_slice %arg15[%dma_start3A_164, %dma_start3A_165] : memref<512x128xf32, #tpu.memory_space<vmem_shared>> -> memref<512x128xf32, #tpu.memory_space<vmem_shared>>
    tpu.enqueue_indirect_dma source(%dma_start3A_160 : memref<96x128xf32, #tpu.memory_space<vmem>>) target(%dma_start3A_166 : memref<512x128xf32, #tpu.memory_space<vmem_shared>>) offsets(%dma_start3A_163 : memref<96xi32, #tpu.memory_space<vmem>>) semaphore(%arg23 : memref<!tpu.dma_semaphore, #tpu.memory_space<semaphore_mem>>) {add = true}
    %dma_wait3A_167 = arith.constant 2 : i32
    %dma_wait3A_168 = arith.constant 0 : i32
    %dma_wait3A_169 = arith.constant 0 : i32
    %dma_wait3A_170 = tpu.memref_slice %arg7[%dma_wait3A_168, %dma_wait3A_169] : memref<192x128xf32, #tpu.memory_space<vmem>> -> memref<96x128xf32, #tpu.memory_space<vmem>>
    %dma_wait3A_171 = arith.constant 0 : i32
    %dma_wait3A_172 = tpu.memref_slice %arg10[%dma_wait3A_167, %dma_wait3A_171] : memref<32x96xi32, #tpu.memory_space<vmem>> -> memref<1x96xi32, #tpu.memory_space<vmem>>
    %dma_wait3A_173 = tpu.memref_squeeze %dma_wait3A_172 : memref<1x96xi32, #tpu.memory_space<vmem>> -> memref<96xi32, #tpu.memory_space<vmem>>
    %dma_wait3A_174 = arith.constant 0 : i32
    %dma_wait3A_175 = arith.constant 0 : i32
    %dma_wait3A_176 = tpu.memref_slice %arg15[%dma_wait3A_174, %dma_wait3A_175] : memref<512x128xf32, #tpu.memory_space<vmem_shared>> -> memref<512x128xf32, #tpu.memory_space<vmem_shared>>
    tpu.wait_indirect_dma semaphore(%arg21 : memref<!tpu.dma_semaphore, #tpu.memory_space<semaphore_mem>>) src(%dma_wait3A_170 : memref<96x128xf32, #tpu.memory_space<vmem>>) dst(%dma_wait3A_176 : memref<512x128xf32, #tpu.memory_space<vmem_shared>>)
    %dma_wait3A_177 = arith.constant 3 : i32
    %dma_wait3A_178 = arith.constant 96 : i32
    %dma_wait3A_179 = arith.constant 0 : i32
    %dma_wait3A_180 = tpu.memref_slice %arg7[%dma_wait3A_178, %dma_wait3A_179] : memref<192x128xf32, #tpu.memory_space<vmem>> -> memref<96x128xf32, #tpu.memory_space<vmem>>
    %dma_wait3A_181 = arith.constant 0 : i32
    %dma_wait3A_182 = tpu.memref_slice %arg10[%dma_wait3A_177, %dma_wait3A_181] : memref<32x96xi32, #tpu.memory_space<vmem>> -> memref<1x96xi32, #tpu.memory_space<vmem>>
    %dma_wait3A_183 = tpu.memref_squeeze %dma_wait3A_182 : memref<1x96xi32, #tpu.memory_space<vmem>> -> memref<96xi32, #tpu.memory_space<vmem>>
    %dma_wait3A_184 = arith.constant 0 : i32
    %dma_wait3A_185 = arith.constant 0 : i32
    %dma_wait3A_186 = tpu.memref_slice %arg15[%dma_wait3A_184, %dma_wait3A_185] : memref<512x128xf32, #tpu.memory_space<vmem_shared>> -> memref<512x128xf32, #tpu.memory_space<vmem_shared>>
    tpu.wait_indirect_dma semaphore(%arg21 : memref<!tpu.dma_semaphore, #tpu.memory_space<semaphore_mem>>) src(%dma_wait3A_180 : memref<96x128xf32, #tpu.memory_space<vmem>>) dst(%dma_wait3A_186 : memref<512x128xf32, #tpu.memory_space<vmem_shared>>)
    %add3A_187 = arith.constant 960 : i32
    %add3A_188 = arith.addi %mul3A_4, %add3A_187 : i32
    %dma_start3A_189 = arith.constant 0 : i32
    %dma_start3A_190 = tpu.memref_slice %arg2[%add3A_188, %dma_start3A_189] : memref<100000x128xf32, #tpu.memory_space<hbm>> -> memref<192x128xf32, #tpu.memory_space<hbm>>
    %dma_start3A_191 = arith.constant 0 : i32
    %dma_start3A_192 = tpu.memref_slice %arg2[%add3A_188, %dma_start3A_191] : memref<100000x128xf32, #tpu.memory_space<hbm>> -> memref<192x128xf32, #tpu.memory_space<hbm>>
    tpu.enqueue_dma source(%dma_start3A_192 : memref<192x128xf32, #tpu.memory_space<hbm>>) target(%arg7 : memref<192x128xf32, #tpu.memory_space<vmem>>) target_semaphore(%arg17 : memref<!tpu.dma_semaphore, #tpu.memory_space<semaphore_mem>>)
    %dma_wait3A_193 = arith.constant 0 : i32
    %dma_wait3A_194 = tpu.memref_slice %arg2[%add3A_138, %dma_wait3A_193] : memref<100000x128xf32, #tpu.memory_space<hbm>> -> memref<192x128xf32, #tpu.memory_space<hbm>>
    %dma_wait3A_195 = arith.constant 0 : i32
    %dma_wait3A_196 = tpu.memref_slice %arg2[%add3A_138, %dma_wait3A_195] : memref<100000x128xf32, #tpu.memory_space<hbm>> -> memref<192x128xf32, #tpu.memory_space<hbm>>
    tpu.wait_dma2 semaphore(%arg16 : memref<!tpu.dma_semaphore, #tpu.memory_space<semaphore_mem>>) src(%dma_wait3A_196 : memref<192x128xf32, #tpu.memory_space<hbm>>) dst(%arg6 : memref<192x128xf32, #tpu.memory_space<vmem>>)
    %dma_start3A_197 = arith.constant 8 : i32
    %dma_start3A_198 = arith.constant 0 : i32
    %dma_start3A_199 = arith.constant 0 : i32
    %dma_start3A_200 = tpu.memref_slice %arg6[%dma_start3A_198, %dma_start3A_199] : memref<192x128xf32, #tpu.memory_space<vmem>> -> memref<96x128xf32, #tpu.memory_space<vmem>>
    %dma_start3A_201 = arith.constant 0 : i32
    %dma_start3A_202 = tpu.memref_slice %arg10[%dma_start3A_197, %dma_start3A_201] : memref<32x96xi32, #tpu.memory_space<vmem>> -> memref<1x96xi32, #tpu.memory_space<vmem>>
    %dma_start3A_203 = tpu.memref_squeeze %dma_start3A_202 : memref<1x96xi32, #tpu.memory_space<vmem>> -> memref<96xi32, #tpu.memory_space<vmem>>
    %dma_start3A_204 = arith.constant 0 : i32
    %dma_start3A_205 = arith.constant 0 : i32
    %dma_start3A_206 = tpu.memref_slice %arg15[%dma_start3A_204, %dma_start3A_205] : memref<512x128xf32, #tpu.memory_space<vmem_shared>> -> memref<512x128xf32, #tpu.memory_space<vmem_shared>>
    tpu.enqueue_indirect_dma source(%dma_start3A_200 : memref<96x128xf32, #tpu.memory_space<vmem>>) target(%dma_start3A_206 : memref<512x128xf32, #tpu.memory_space<vmem_shared>>) offsets(%dma_start3A_203 : memref<96xi32, #tpu.memory_space<vmem>>) semaphore(%arg20 : memref<!tpu.dma_semaphore, #tpu.memory_space<semaphore_mem>>) {add = true}
    %dma_start3A_207 = arith.constant 9 : i32
    %dma_start3A_208 = arith.constant 96 : i32
    %dma_start3A_209 = arith.constant 0 : i32
    %dma_start3A_210 = tpu.memref_slice %arg6[%dma_start3A_208, %dma_start3A_209] : memref<192x128xf32, #tpu.memory_space<vmem>> -> memref<96x128xf32, #tpu.memory_space<vmem>>
    %dma_start3A_211 = arith.constant 0 : i32
    %dma_start3A_212 = tpu.memref_slice %arg10[%dma_start3A_207, %dma_start3A_211] : memref<32x96xi32, #tpu.memory_space<vmem>> -> memref<1x96xi32, #tpu.memory_space<vmem>>
    %dma_start3A_213 = tpu.memref_squeeze %dma_start3A_212 : memref<1x96xi32, #tpu.memory_space<vmem>> -> memref<96xi32, #tpu.memory_space<vmem>>
    %dma_start3A_214 = arith.constant 0 : i32
    %dma_start3A_215 = arith.constant 0 : i32
    %dma_start3A_216 = tpu.memref_slice %arg15[%dma_start3A_214, %dma_start3A_215] : memref<512x128xf32, #tpu.memory_space<vmem_shared>> -> memref<512x128xf32, #tpu.memory_space<vmem_shared>>
    tpu.enqueue_indirect_dma source(%dma_start3A_210 : memref<96x128xf32, #tpu.memory_space<vmem>>) target(%dma_start3A_216 : memref<512x128xf32, #tpu.memory_space<vmem_shared>>) offsets(%dma_start3A_213 : memref<96xi32, #tpu.memory_space<vmem>>) semaphore(%arg20 : memref<!tpu.dma_semaphore, #tpu.memory_space<semaphore_mem>>) {add = true}
    %dma_wait3A_217 = arith.constant 4 : i32
    %dma_wait3A_218 = arith.constant 0 : i32
    %dma_wait3A_219 = arith.constant 0 : i32
    %dma_wait3A_220 = tpu.memref_slice %arg8[%dma_wait3A_218, %dma_wait3A_219] : memref<192x128xf32, #tpu.memory_space<vmem>> -> memref<96x128xf32, #tpu.memory_space<vmem>>
    %dma_wait3A_221 = arith.constant 0 : i32
    %dma_wait3A_222 = tpu.memref_slice %arg10[%dma_wait3A_217, %dma_wait3A_221] : memref<32x96xi32, #tpu.memory_space<vmem>> -> memref<1x96xi32, #tpu.memory_space<vmem>>
    %dma_wait3A_223 = tpu.memref_squeeze %dma_wait3A_222 : memref<1x96xi32, #tpu.memory_space<vmem>> -> memref<96xi32, #tpu.memory_space<vmem>>
    %dma_wait3A_224 = arith.constant 0 : i32
    %dma_wait3A_225 = arith.constant 0 : i32
    %dma_wait3A_226 = tpu.memref_slice %arg15[%dma_wait3A_224, %dma_wait3A_225] : memref<512x128xf32, #tpu.memory_space<vmem_shared>> -> memref<512x128xf32, #tpu.memory_space<vmem_shared>>
    tpu.wait_indirect_dma semaphore(%arg22 : memref<!tpu.dma_semaphore, #tpu.memory_space<semaphore_mem>>) src(%dma_wait3A_220 : memref<96x128xf32, #tpu.memory_space<vmem>>) dst(%dma_wait3A_226 : memref<512x128xf32, #tpu.memory_space<vmem_shared>>)
    %dma_wait3A_227 = arith.constant 5 : i32
    %dma_wait3A_228 = arith.constant 96 : i32
    %dma_wait3A_229 = arith.constant 0 : i32
    %dma_wait3A_230 = tpu.memref_slice %arg8[%dma_wait3A_228, %dma_wait3A_229] : memref<192x128xf32, #tpu.memory_space<vmem>> -> memref<96x128xf32, #tpu.memory_space<vmem>>
    %dma_wait3A_231 = arith.constant 0 : i32
    %dma_wait3A_232 = tpu.memref_slice %arg10[%dma_wait3A_227, %dma_wait3A_231] : memref<32x96xi32, #tpu.memory_space<vmem>> -> memref<1x96xi32, #tpu.memory_space<vmem>>
    %dma_wait3A_233 = tpu.memref_squeeze %dma_wait3A_232 : memref<1x96xi32, #tpu.memory_space<vmem>> -> memref<96xi32, #tpu.memory_space<vmem>>
    %dma_wait3A_234 = arith.constant 0 : i32
    %dma_wait3A_235 = arith.constant 0 : i32
    %dma_wait3A_236 = tpu.memref_slice %arg15[%dma_wait3A_234, %dma_wait3A_235] : memref<512x128xf32, #tpu.memory_space<vmem_shared>> -> memref<512x128xf32, #tpu.memory_space<vmem_shared>>
    tpu.wait_indirect_dma semaphore(%arg22 : memref<!tpu.dma_semaphore, #tpu.memory_space<semaphore_mem>>) src(%dma_wait3A_230 : memref<96x128xf32, #tpu.memory_space<vmem>>) dst(%dma_wait3A_236 : memref<512x128xf32, #tpu.memory_space<vmem_shared>>)
    %add3A_237 = arith.constant 1152 : i32
    %add3A_238 = arith.addi %mul3A_4, %add3A_237 : i32
    %dma_start3A_239 = arith.constant 0 : i32
    %dma_start3A_240 = tpu.memref_slice %arg2[%add3A_238, %dma_start3A_239] : memref<100000x128xf32, #tpu.memory_space<hbm>> -> memref<192x128xf32, #tpu.memory_space<hbm>>
    %dma_start3A_241 = arith.constant 0 : i32
    %dma_start3A_242 = tpu.memref_slice %arg2[%add3A_238, %dma_start3A_241] : memref<100000x128xf32, #tpu.memory_space<hbm>> -> memref<192x128xf32, #tpu.memory_space<hbm>>
    tpu.enqueue_dma source(%dma_start3A_242 : memref<192x128xf32, #tpu.memory_space<hbm>>) target(%arg8 : memref<192x128xf32, #tpu.memory_space<vmem>>) target_semaphore(%arg18 : memref<!tpu.dma_semaphore, #tpu.memory_space<semaphore_mem>>)
    %dma_wait3A_243 = arith.constant 0 : i32
    %dma_wait3A_244 = tpu.memref_slice %arg2[%add3A_188, %dma_wait3A_243] : memref<100000x128xf32, #tpu.memory_space<hbm>> -> memref<192x128xf32, #tpu.memory_space<hbm>>
    %dma_wait3A_245 = arith.constant 0 : i32
    %dma_wait3A_246 = tpu.memref_slice %arg2[%add3A_188, %dma_wait3A_245] : memref<100000x128xf32, #tpu.memory_space<hbm>> -> memref<192x128xf32, #tpu.memory_space<hbm>>
    tpu.wait_dma2 semaphore(%arg17 : memref<!tpu.dma_semaphore, #tpu.memory_space<semaphore_mem>>) src(%dma_wait3A_246 : memref<192x128xf32, #tpu.memory_space<hbm>>) dst(%arg7 : memref<192x128xf32, #tpu.memory_space<vmem>>)
    %dma_start3A_247 = arith.constant 10 : i32
    %dma_start3A_248 = arith.constant 0 : i32
    %dma_start3A_249 = arith.constant 0 : i32
    %dma_start3A_250 = tpu.memref_slice %arg7[%dma_start3A_248, %dma_start3A_249] : memref<192x128xf32, #tpu.memory_space<vmem>> -> memref<96x128xf32, #tpu.memory_space<vmem>>
    %dma_start3A_251 = arith.constant 0 : i32
    %dma_start3A_252 = tpu.memref_slice %arg10[%dma_start3A_247, %dma_start3A_251] : memref<32x96xi32, #tpu.memory_space<vmem>> -> memref<1x96xi32, #tpu.memory_space<vmem>>
    %dma_start3A_253 = tpu.memref_squeeze %dma_start3A_252 : memref<1x96xi32, #tpu.memory_space<vmem>> -> memref<96xi32, #tpu.memory_space<vmem>>
    %dma_start3A_254 = arith.constant 0 : i32
    %dma_start3A_255 = arith.constant 0 : i32
    %dma_start3A_256 = tpu.memref_slice %arg15[%dma_start3A_254, %dma_start3A_255] : memref<512x128xf32, #tpu.memory_space<vmem_shared>> -> memref<512x128xf32, #tpu.memory_space<vmem_shared>>
    tpu.enqueue_indirect_dma source(%dma_start3A_250 : memref<96x128xf32, #tpu.memory_space<vmem>>) target(%dma_start3A_256 : memref<512x128xf32, #tpu.memory_space<vmem_shared>>) offsets(%dma_start3A_253 : memref<96xi32, #tpu.memory_space<vmem>>) semaphore(%arg21 : memref<!tpu.dma_semaphore, #tpu.memory_space<semaphore_mem>>) {add = true}
    %dma_start3A_257 = arith.constant 11 : i32
    %dma_start3A_258 = arith.constant 96 : i32
    %dma_start3A_259 = arith.constant 0 : i32
    %dma_start3A_260 = tpu.memref_slice %arg7[%dma_start3A_258, %dma_start3A_259] : memref<192x128xf32, #tpu.memory_space<vmem>> -> memref<96x128xf32, #tpu.memory_space<vmem>>
    %dma_start3A_261 = arith.constant 0 : i32
    %dma_start3A_262 = tpu.memref_slice %arg10[%dma_start3A_257, %dma_start3A_261] : memref<32x96xi32, #tpu.memory_space<vmem>> -> memref<1x96xi32, #tpu.memory_space<vmem>>
    %dma_start3A_263 = tpu.memref_squeeze %dma_start3A_262 : memref<1x96xi32, #tpu.memory_space<vmem>> -> memref<96xi32, #tpu.memory_space<vmem>>
    %dma_start3A_264 = arith.constant 0 : i32
    %dma_start3A_265 = arith.constant 0 : i32
    %dma_start3A_266 = tpu.memref_slice %arg15[%dma_start3A_264, %dma_start3A_265] : memref<512x128xf32, #tpu.memory_space<vmem_shared>> -> memref<512x128xf32, #tpu.memory_space<vmem_shared>>
    tpu.enqueue_indirect_dma source(%dma_start3A_260 : memref<96x128xf32, #tpu.memory_space<vmem>>) target(%dma_start3A_266 : memref<512x128xf32, #tpu.memory_space<vmem_shared>>) offsets(%dma_start3A_263 : memref<96xi32, #tpu.memory_space<vmem>>) semaphore(%arg21 : memref<!tpu.dma_semaphore, #tpu.memory_space<semaphore_mem>>) {add = true}
    %dma_wait3A_267 = arith.constant 6 : i32
    %dma_wait3A_268 = arith.constant 0 : i32
    %dma_wait3A_269 = arith.constant 0 : i32
    %dma_wait3A_270 = tpu.memref_slice %arg9[%dma_wait3A_268, %dma_wait3A_269] : memref<192x128xf32, #tpu.memory_space<vmem>> -> memref<96x128xf32, #tpu.memory_space<vmem>>
    %dma_wait3A_271 = arith.constant 0 : i32
    %dma_wait3A_272 = tpu.memref_slice %arg10[%dma_wait3A_267, %dma_wait3A_271] : memref<32x96xi32, #tpu.memory_space<vmem>> -> memref<1x96xi32, #tpu.memory_space<vmem>>
    %dma_wait3A_273 = tpu.memref_squeeze %dma_wait3A_272 : memref<1x96xi32, #tpu.memory_space<vmem>> -> memref<96xi32, #tpu.memory_space<vmem>>
    %dma_wait3A_274 = arith.constant 0 : i32
    %dma_wait3A_275 = arith.constant 0 : i32
    %dma_wait3A_276 = tpu.memref_slice %arg15[%dma_wait3A_274, %dma_wait3A_275] : memref<512x128xf32, #tpu.memory_space<vmem_shared>> -> memref<512x128xf32, #tpu.memory_space<vmem_shared>>
    tpu.wait_indirect_dma semaphore(%arg23 : memref<!tpu.dma_semaphore, #tpu.memory_space<semaphore_mem>>) src(%dma_wait3A_270 : memref<96x128xf32, #tpu.memory_space<vmem>>) dst(%dma_wait3A_276 : memref<512x128xf32, #tpu.memory_space<vmem_shared>>)
    %dma_wait3A_277 = arith.constant 7 : i32
    %dma_wait3A_278 = arith.constant 96 : i32
    %dma_wait3A_279 = arith.constant 0 : i32
    %dma_wait3A_280 = tpu.memref_slice %arg9[%dma_wait3A_278, %dma_wait3A_279] : memref<192x128xf32, #tpu.memory_space<vmem>> -> memref<96x128xf32, #tpu.memory_space<vmem>>
    %dma_wait3A_281 = arith.constant 0 : i32
    %dma_wait3A_282 = tpu.memref_slice %arg10[%dma_wait3A_277, %dma_wait3A_281] : memref<32x96xi32, #tpu.memory_space<vmem>> -> memref<1x96xi32, #tpu.memory_space<vmem>>
    %dma_wait3A_283 = tpu.memref_squeeze %dma_wait3A_282 : memref<1x96xi32, #tpu.memory_space<vmem>> -> memref<96xi32, #tpu.memory_space<vmem>>
    %dma_wait3A_284 = arith.constant 0 : i32
    %dma_wait3A_285 = arith.constant 0 : i32
    %dma_wait3A_286 = tpu.memref_slice %arg15[%dma_wait3A_284, %dma_wait3A_285] : memref<512x128xf32, #tpu.memory_space<vmem_shared>> -> memref<512x128xf32, #tpu.memory_space<vmem_shared>>
    tpu.wait_indirect_dma semaphore(%arg23 : memref<!tpu.dma_semaphore, #tpu.memory_space<semaphore_mem>>) src(%dma_wait3A_280 : memref<96x128xf32, #tpu.memory_space<vmem>>) dst(%dma_wait3A_286 : memref<512x128xf32, #tpu.memory_space<vmem_shared>>)
    %add3A_287 = arith.constant 1344 : i32
    %add3A_288 = arith.addi %mul3A_4, %add3A_287 : i32
    %dma_start3A_289 = arith.constant 0 : i32
    %dma_start3A_290 = tpu.memref_slice %arg2[%add3A_288, %dma_start3A_289] : memref<100000x128xf32, #tpu.memory_space<hbm>> -> memref<192x128xf32, #tpu.memory_space<hbm>>
    %dma_start3A_291 = arith.constant 0 : i32
    %dma_start3A_292 = tpu.memref_slice %arg2[%add3A_288, %dma_start3A_291] : memref<100000x128xf32, #tpu.memory_space<hbm>> -> memref<192x128xf32, #tpu.memory_space<hbm>>
    tpu.enqueue_dma source(%dma_start3A_292 : memref<192x128xf32, #tpu.memory_space<hbm>>) target(%arg9 : memref<192x128xf32, #tpu.memory_space<vmem>>) target_semaphore(%arg19 : memref<!tpu.dma_semaphore, #tpu.memory_space<semaphore_mem>>)
    %dma_wait3A_293 = arith.constant 0 : i32
    %dma_wait3A_294 = tpu.memref_slice %arg2[%add3A_238, %dma_wait3A_293] : memref<100000x128xf32, #tpu.memory_space<hbm>> -> memref<192x128xf32, #tpu.memory_space<hbm>>
    %dma_wait3A_295 = arith.constant 0 : i32
    %dma_wait3A_296 = tpu.memref_slice %arg2[%add3A_238, %dma_wait3A_295] : memref<100000x128xf32, #tpu.memory_space<hbm>> -> memref<192x128xf32, #tpu.memory_space<hbm>>
    tpu.wait_dma2 semaphore(%arg18 : memref<!tpu.dma_semaphore, #tpu.memory_space<semaphore_mem>>) src(%dma_wait3A_296 : memref<192x128xf32, #tpu.memory_space<hbm>>) dst(%arg8 : memref<192x128xf32, #tpu.memory_space<vmem>>)
    %dma_start3A_297 = arith.constant 12 : i32
    %dma_start3A_298 = arith.constant 0 : i32
    %dma_start3A_299 = arith.constant 0 : i32
    %dma_start3A_300 = tpu.memref_slice %arg8[%dma_start3A_298, %dma_start3A_299] : memref<192x128xf32, #tpu.memory_space<vmem>> -> memref<96x128xf32, #tpu.memory_space<vmem>>
    %dma_start3A_301 = arith.constant 0 : i32
    %dma_start3A_302 = tpu.memref_slice %arg10[%dma_start3A_297, %dma_start3A_301] : memref<32x96xi32, #tpu.memory_space<vmem>> -> memref<1x96xi32, #tpu.memory_space<vmem>>
    %dma_start3A_303 = tpu.memref_squeeze %dma_start3A_302 : memref<1x96xi32, #tpu.memory_space<vmem>> -> memref<96xi32, #tpu.memory_space<vmem>>
    %dma_start3A_304 = arith.constant 0 : i32
    %dma_start3A_305 = arith.constant 0 : i32
    %dma_start3A_306 = tpu.memref_slice %arg15[%dma_start3A_304, %dma_start3A_305] : memref<512x128xf32, #tpu.memory_space<vmem_shared>> -> memref<512x128xf32, #tpu.memory_space<vmem_shared>>
    tpu.enqueue_indirect_dma source(%dma_start3A_300 : memref<96x128xf32, #tpu.memory_space<vmem>>) target(%dma_start3A_306 : memref<512x128xf32, #tpu.memory_space<vmem_shared>>) offsets(%dma_start3A_303 : memref<96xi32, #tpu.memory_space<vmem>>) semaphore(%arg22 : memref<!tpu.dma_semaphore, #tpu.memory_space<semaphore_mem>>) {add = true}
    %dma_start3A_307 = arith.constant 13 : i32
    %dma_start3A_308 = arith.constant 96 : i32
    %dma_start3A_309 = arith.constant 0 : i32
    %dma_start3A_310 = tpu.memref_slice %arg8[%dma_start3A_308, %dma_start3A_309] : memref<192x128xf32, #tpu.memory_space<vmem>> -> memref<96x128xf32, #tpu.memory_space<vmem>>
    %dma_start3A_311 = arith.constant 0 : i32
    %dma_start3A_312 = tpu.memref_slice %arg10[%dma_start3A_307, %dma_start3A_311] : memref<32x96xi32, #tpu.memory_space<vmem>> -> memref<1x96xi32, #tpu.memory_space<vmem>>
    %dma_start3A_313 = tpu.memref_squeeze %dma_start3A_312 : memref<1x96xi32, #tpu.memory_space<vmem>> -> memref<96xi32, #tpu.memory_space<vmem>>
    %dma_start3A_314 = arith.constant 0 : i32
    %dma_start3A_315 = arith.constant 0 : i32
    %dma_start3A_316 = tpu.memref_slice %arg15[%dma_start3A_314, %dma_start3A_315] : memref<512x128xf32, #tpu.memory_space<vmem_shared>> -> memref<512x128xf32, #tpu.memory_space<vmem_shared>>
    tpu.enqueue_indirect_dma source(%dma_start3A_310 : memref<96x128xf32, #tpu.memory_space<vmem>>) target(%dma_start3A_316 : memref<512x128xf32, #tpu.memory_space<vmem_shared>>) offsets(%dma_start3A_313 : memref<96xi32, #tpu.memory_space<vmem>>) semaphore(%arg22 : memref<!tpu.dma_semaphore, #tpu.memory_space<semaphore_mem>>) {add = true}
    %dma_wait3A_317 = arith.constant 8 : i32
    %dma_wait3A_318 = arith.constant 0 : i32
    %dma_wait3A_319 = arith.constant 0 : i32
    %dma_wait3A_320 = tpu.memref_slice %arg6[%dma_wait3A_318, %dma_wait3A_319] : memref<192x128xf32, #tpu.memory_space<vmem>> -> memref<96x128xf32, #tpu.memory_space<vmem>>
    %dma_wait3A_321 = arith.constant 0 : i32
    %dma_wait3A_322 = tpu.memref_slice %arg10[%dma_wait3A_317, %dma_wait3A_321] : memref<32x96xi32, #tpu.memory_space<vmem>> -> memref<1x96xi32, #tpu.memory_space<vmem>>
    %dma_wait3A_323 = tpu.memref_squeeze %dma_wait3A_322 : memref<1x96xi32, #tpu.memory_space<vmem>> -> memref<96xi32, #tpu.memory_space<vmem>>
    %dma_wait3A_324 = arith.constant 0 : i32
    %dma_wait3A_325 = arith.constant 0 : i32
    %dma_wait3A_326 = tpu.memref_slice %arg15[%dma_wait3A_324, %dma_wait3A_325] : memref<512x128xf32, #tpu.memory_space<vmem_shared>> -> memref<512x128xf32, #tpu.memory_space<vmem_shared>>
    tpu.wait_indirect_dma semaphore(%arg20 : memref<!tpu.dma_semaphore, #tpu.memory_space<semaphore_mem>>) src(%dma_wait3A_320 : memref<96x128xf32, #tpu.memory_space<vmem>>) dst(%dma_wait3A_326 : memref<512x128xf32, #tpu.memory_space<vmem_shared>>)
    %dma_wait3A_327 = arith.constant 9 : i32
    %dma_wait3A_328 = arith.constant 96 : i32
    %dma_wait3A_329 = arith.constant 0 : i32
    %dma_wait3A_330 = tpu.memref_slice %arg6[%dma_wait3A_328, %dma_wait3A_329] : memref<192x128xf32, #tpu.memory_space<vmem>> -> memref<96x128xf32, #tpu.memory_space<vmem>>
    %dma_wait3A_331 = arith.constant 0 : i32
    %dma_wait3A_332 = tpu.memref_slice %arg10[%dma_wait3A_327, %dma_wait3A_331] : memref<32x96xi32, #tpu.memory_space<vmem>> -> memref<1x96xi32, #tpu.memory_space<vmem>>
    %dma_wait3A_333 = tpu.memref_squeeze %dma_wait3A_332 : memref<1x96xi32, #tpu.memory_space<vmem>> -> memref<96xi32, #tpu.memory_space<vmem>>
    %dma_wait3A_334 = arith.constant 0 : i32
    %dma_wait3A_335 = arith.constant 0 : i32
    %dma_wait3A_336 = tpu.memref_slice %arg15[%dma_wait3A_334, %dma_wait3A_335] : memref<512x128xf32, #tpu.memory_space<vmem_shared>> -> memref<512x128xf32, #tpu.memory_space<vmem_shared>>
    tpu.wait_indirect_dma semaphore(%arg20 : memref<!tpu.dma_semaphore, #tpu.memory_space<semaphore_mem>>) src(%dma_wait3A_330 : memref<96x128xf32, #tpu.memory_space<vmem>>) dst(%dma_wait3A_336 : memref<512x128xf32, #tpu.memory_space<vmem_shared>>)
    %add3A_337 = arith.constant 1536 : i32
    %add3A_338 = arith.addi %mul3A_4, %add3A_337 : i32
    %dma_start3A_339 = arith.constant 0 : i32
    %dma_start3A_340 = tpu.memref_slice %arg2[%add3A_338, %dma_start3A_339] : memref<100000x128xf32, #tpu.memory_space<hbm>> -> memref<192x128xf32, #tpu.memory_space<hbm>>
    %dma_start3A_341 = arith.constant 0 : i32
    %dma_start3A_342 = tpu.memref_slice %arg2[%add3A_338, %dma_start3A_341] : memref<100000x128xf32, #tpu.memory_space<hbm>> -> memref<192x128xf32, #tpu.memory_space<hbm>>
    tpu.enqueue_dma source(%dma_start3A_342 : memref<192x128xf32, #tpu.memory_space<hbm>>) target(%arg6 : memref<192x128xf32, #tpu.memory_space<vmem>>) target_semaphore(%arg16 : memref<!tpu.dma_semaphore, #tpu.memory_space<semaphore_mem>>)
    %dma_wait3A_343 = arith.constant 0 : i32
    %dma_wait3A_344 = tpu.memref_slice %arg2[%add3A_288, %dma_wait3A_343] : memref<100000x128xf32, #tpu.memory_space<hbm>> -> memref<192x128xf32, #tpu.memory_space<hbm>>
    %dma_wait3A_345 = arith.constant 0 : i32
    %dma_wait3A_346 = tpu.memref_slice %arg2[%add3A_288, %dma_wait3A_345] : memref<100000x128xf32, #tpu.memory_space<hbm>> -> memref<192x128xf32, #tpu.memory_space<hbm>>
    tpu.wait_dma2 semaphore(%arg19 : memref<!tpu.dma_semaphore, #tpu.memory_space<semaphore_mem>>) src(%dma_wait3A_346 : memref<192x128xf32, #tpu.memory_space<hbm>>) dst(%arg9 : memref<192x128xf32, #tpu.memory_space<vmem>>)
    %dma_start3A_347 = arith.constant 14 : i32
    %dma_start3A_348 = arith.constant 0 : i32
    %dma_start3A_349 = arith.constant 0 : i32
    %dma_start3A_350 = tpu.memref_slice %arg9[%dma_start3A_348, %dma_start3A_349] : memref<192x128xf32, #tpu.memory_space<vmem>> -> memref<96x128xf32, #tpu.memory_space<vmem>>
    %dma_start3A_351 = arith.constant 0 : i32
    %dma_start3A_352 = tpu.memref_slice %arg10[%dma_start3A_347, %dma_start3A_351] : memref<32x96xi32, #tpu.memory_space<vmem>> -> memref<1x96xi32, #tpu.memory_space<vmem>>
    %dma_start3A_353 = tpu.memref_squeeze %dma_start3A_352 : memref<1x96xi32, #tpu.memory_space<vmem>> -> memref<96xi32, #tpu.memory_space<vmem>>
    %dma_start3A_354 = arith.constant 0 : i32
    %dma_start3A_355 = arith.constant 0 : i32
    %dma_start3A_356 = tpu.memref_slice %arg15[%dma_start3A_354, %dma_start3A_355] : memref<512x128xf32, #tpu.memory_space<vmem_shared>> -> memref<512x128xf32, #tpu.memory_space<vmem_shared>>
    tpu.enqueue_indirect_dma source(%dma_start3A_350 : memref<96x128xf32, #tpu.memory_space<vmem>>) target(%dma_start3A_356 : memref<512x128xf32, #tpu.memory_space<vmem_shared>>) offsets(%dma_start3A_353 : memref<96xi32, #tpu.memory_space<vmem>>) semaphore(%arg23 : memref<!tpu.dma_semaphore, #tpu.memory_space<semaphore_mem>>) {add = true}
    %dma_start3A_357 = arith.constant 15 : i32
    %dma_start3A_358 = arith.constant 96 : i32
    %dma_start3A_359 = arith.constant 0 : i32
    %dma_start3A_360 = tpu.memref_slice %arg9[%dma_start3A_358, %dma_start3A_359] : memref<192x128xf32, #tpu.memory_space<vmem>> -> memref<96x128xf32, #tpu.memory_space<vmem>>
    %dma_start3A_361 = arith.constant 0 : i32
    %dma_start3A_362 = tpu.memref_slice %arg10[%dma_start3A_357, %dma_start3A_361] : memref<32x96xi32, #tpu.memory_space<vmem>> -> memref<1x96xi32, #tpu.memory_space<vmem>>
    %dma_start3A_363 = tpu.memref_squeeze %dma_start3A_362 : memref<1x96xi32, #tpu.memory_space<vmem>> -> memref<96xi32, #tpu.memory_space<vmem>>
    %dma_start3A_364 = arith.constant 0 : i32
    %dma_start3A_365 = arith.constant 0 : i32
    %dma_start3A_366 = tpu.memref_slice %arg15[%dma_start3A_364, %dma_start3A_365] : memref<512x128xf32, #tpu.memory_space<vmem_shared>> -> memref<512x128xf32, #tpu.memory_space<vmem_shared>>
    tpu.enqueue_indirect_dma source(%dma_start3A_360 : memref<96x128xf32, #tpu.memory_space<vmem>>) target(%dma_start3A_366 : memref<512x128xf32, #tpu.memory_space<vmem_shared>>) offsets(%dma_start3A_363 : memref<96xi32, #tpu.memory_space<vmem>>) semaphore(%arg23 : memref<!tpu.dma_semaphore, #tpu.memory_space<semaphore_mem>>) {add = true}
    %dma_wait3A_367 = arith.constant 10 : i32
    %dma_wait3A_368 = arith.constant 0 : i32
    %dma_wait3A_369 = arith.constant 0 : i32
    %dma_wait3A_370 = tpu.memref_slice %arg7[%dma_wait3A_368, %dma_wait3A_369] : memref<192x128xf32, #tpu.memory_space<vmem>> -> memref<96x128xf32, #tpu.memory_space<vmem>>
    %dma_wait3A_371 = arith.constant 0 : i32
    %dma_wait3A_372 = tpu.memref_slice %arg10[%dma_wait3A_367, %dma_wait3A_371] : memref<32x96xi32, #tpu.memory_space<vmem>> -> memref<1x96xi32, #tpu.memory_space<vmem>>
    %dma_wait3A_373 = tpu.memref_squeeze %dma_wait3A_372 : memref<1x96xi32, #tpu.memory_space<vmem>> -> memref<96xi32, #tpu.memory_space<vmem>>
    %dma_wait3A_374 = arith.constant 0 : i32
    %dma_wait3A_375 = arith.constant 0 : i32
    %dma_wait3A_376 = tpu.memref_slice %arg15[%dma_wait3A_374, %dma_wait3A_375] : memref<512x128xf32, #tpu.memory_space<vmem_shared>> -> memref<512x128xf32, #tpu.memory_space<vmem_shared>>
    tpu.wait_indirect_dma semaphore(%arg21 : memref<!tpu.dma_semaphore, #tpu.memory_space<semaphore_mem>>) src(%dma_wait3A_370 : memref<96x128xf32, #tpu.memory_space<vmem>>) dst(%dma_wait3A_376 : memref<512x128xf32, #tpu.memory_space<vmem_shared>>)
    %dma_wait3A_377 = arith.constant 11 : i32
    %dma_wait3A_378 = arith.constant 96 : i32
    %dma_wait3A_379 = arith.constant 0 : i32
    %dma_wait3A_380 = tpu.memref_slice %arg7[%dma_wait3A_378, %dma_wait3A_379] : memref<192x128xf32, #tpu.memory_space<vmem>> -> memref<96x128xf32, #tpu.memory_space<vmem>>
    %dma_wait3A_381 = arith.constant 0 : i32
    %dma_wait3A_382 = tpu.memref_slice %arg10[%dma_wait3A_377, %dma_wait3A_381] : memref<32x96xi32, #tpu.memory_space<vmem>> -> memref<1x96xi32, #tpu.memory_space<vmem>>
    %dma_wait3A_383 = tpu.memref_squeeze %dma_wait3A_382 : memref<1x96xi32, #tpu.memory_space<vmem>> -> memref<96xi32, #tpu.memory_space<vmem>>
    %dma_wait3A_384 = arith.constant 0 : i32
    %dma_wait3A_385 = arith.constant 0 : i32
    %dma_wait3A_386 = tpu.memref_slice %arg15[%dma_wait3A_384, %dma_wait3A_385] : memref<512x128xf32, #tpu.memory_space<vmem_shared>> -> memref<512x128xf32, #tpu.memory_space<vmem_shared>>
    tpu.wait_indirect_dma semaphore(%arg21 : memref<!tpu.dma_semaphore, #tpu.memory_space<semaphore_mem>>) src(%dma_wait3A_380 : memref<96x128xf32, #tpu.memory_space<vmem>>) dst(%dma_wait3A_386 : memref<512x128xf32, #tpu.memory_space<vmem_shared>>)
    %add3A_387 = arith.constant 1728 : i32
    %add3A_388 = arith.addi %mul3A_4, %add3A_387 : i32
    %dma_start3A_389 = arith.constant 0 : i32
    %dma_start3A_390 = tpu.memref_slice %arg2[%add3A_388, %dma_start3A_389] : memref<100000x128xf32, #tpu.memory_space<hbm>> -> memref<192x128xf32, #tpu.memory_space<hbm>>
    %dma_start3A_391 = arith.constant 0 : i32
    %dma_start3A_392 = tpu.memref_slice %arg2[%add3A_388, %dma_start3A_391] : memref<100000x128xf32, #tpu.memory_space<hbm>> -> memref<192x128xf32, #tpu.memory_space<hbm>>
    tpu.enqueue_dma source(%dma_start3A_392 : memref<192x128xf32, #tpu.memory_space<hbm>>) target(%arg7 : memref<192x128xf32, #tpu.memory_space<vmem>>) target_semaphore(%arg17 : memref<!tpu.dma_semaphore, #tpu.memory_space<semaphore_mem>>)
    %dma_wait3A_393 = arith.constant 0 : i32
    %dma_wait3A_394 = tpu.memref_slice %arg2[%add3A_338, %dma_wait3A_393] : memref<100000x128xf32, #tpu.memory_space<hbm>> -> memref<192x128xf32, #tpu.memory_space<hbm>>
    %dma_wait3A_395 = arith.constant 0 : i32
    %dma_wait3A_396 = tpu.memref_slice %arg2[%add3A_338, %dma_wait3A_395] : memref<100000x128xf32, #tpu.memory_space<hbm>> -> memref<192x128xf32, #tpu.memory_space<hbm>>
    tpu.wait_dma2 semaphore(%arg16 : memref<!tpu.dma_semaphore, #tpu.memory_space<semaphore_mem>>) src(%dma_wait3A_396 : memref<192x128xf32, #tpu.memory_space<hbm>>) dst(%arg6 : memref<192x128xf32, #tpu.memory_space<vmem>>)
    %dma_start3A_397 = arith.constant 16 : i32
    %dma_start3A_398 = arith.constant 0 : i32
    %dma_start3A_399 = arith.constant 0 : i32
    %dma_start3A_400 = tpu.memref_slice %arg6[%dma_start3A_398, %dma_start3A_399] : memref<192x128xf32, #tpu.memory_space<vmem>> -> memref<96x128xf32, #tpu.memory_space<vmem>>
    %dma_start3A_401 = arith.constant 0 : i32
    %dma_start3A_402 = tpu.memref_slice %arg10[%dma_start3A_397, %dma_start3A_401] : memref<32x96xi32, #tpu.memory_space<vmem>> -> memref<1x96xi32, #tpu.memory_space<vmem>>
    %dma_start3A_403 = tpu.memref_squeeze %dma_start3A_402 : memref<1x96xi32, #tpu.memory_space<vmem>> -> memref<96xi32, #tpu.memory_space<vmem>>
    %dma_start3A_404 = arith.constant 0 : i32
    %dma_start3A_405 = arith.constant 0 : i32
    %dma_start3A_406 = tpu.memref_slice %arg15[%dma_start3A_404, %dma_start3A_405] : memref<512x128xf32, #tpu.memory_space<vmem_shared>> -> memref<512x128xf32, #tpu.memory_space<vmem_shared>>
    tpu.enqueue_indirect_dma source(%dma_start3A_400 : memref<96x128xf32, #tpu.memory_space<vmem>>) target(%dma_start3A_406 : memref<512x128xf32, #tpu.memory_space<vmem_shared>>) offsets(%dma_start3A_403 : memref<96xi32, #tpu.memory_space<vmem>>) semaphore(%arg20 : memref<!tpu.dma_semaphore, #tpu.memory_space<semaphore_mem>>) {add = true}
    %dma_start3A_407 = arith.constant 17 : i32
    %dma_start3A_408 = arith.constant 96 : i32
    %dma_start3A_409 = arith.constant 0 : i32
    %dma_start3A_410 = tpu.memref_slice %arg6[%dma_start3A_408, %dma_start3A_409] : memref<192x128xf32, #tpu.memory_space<vmem>> -> memref<96x128xf32, #tpu.memory_space<vmem>>
    %dma_start3A_411 = arith.constant 0 : i32
    %dma_start3A_412 = tpu.memref_slice %arg10[%dma_start3A_407, %dma_start3A_411] : memref<32x96xi32, #tpu.memory_space<vmem>> -> memref<1x96xi32, #tpu.memory_space<vmem>>
    %dma_start3A_413 = tpu.memref_squeeze %dma_start3A_412 : memref<1x96xi32, #tpu.memory_space<vmem>> -> memref<96xi32, #tpu.memory_space<vmem>>
    %dma_start3A_414 = arith.constant 0 : i32
    %dma_start3A_415 = arith.constant 0 : i32
    %dma_start3A_416 = tpu.memref_slice %arg15[%dma_start3A_414, %dma_start3A_415] : memref<512x128xf32, #tpu.memory_space<vmem_shared>> -> memref<512x128xf32, #tpu.memory_space<vmem_shared>>
    tpu.enqueue_indirect_dma source(%dma_start3A_410 : memref<96x128xf32, #tpu.memory_space<vmem>>) target(%dma_start3A_416 : memref<512x128xf32, #tpu.memory_space<vmem_shared>>) offsets(%dma_start3A_413 : memref<96xi32, #tpu.memory_space<vmem>>) semaphore(%arg20 : memref<!tpu.dma_semaphore, #tpu.memory_space<semaphore_mem>>) {add = true}
    %dma_wait3A_417 = arith.constant 12 : i32
    %dma_wait3A_418 = arith.constant 0 : i32
    %dma_wait3A_419 = arith.constant 0 : i32
    %dma_wait3A_420 = tpu.memref_slice %arg8[%dma_wait3A_418, %dma_wait3A_419] : memref<192x128xf32, #tpu.memory_space<vmem>> -> memref<96x128xf32, #tpu.memory_space<vmem>>
    %dma_wait3A_421 = arith.constant 0 : i32
    %dma_wait3A_422 = tpu.memref_slice %arg10[%dma_wait3A_417, %dma_wait3A_421] : memref<32x96xi32, #tpu.memory_space<vmem>> -> memref<1x96xi32, #tpu.memory_space<vmem>>
    %dma_wait3A_423 = tpu.memref_squeeze %dma_wait3A_422 : memref<1x96xi32, #tpu.memory_space<vmem>> -> memref<96xi32, #tpu.memory_space<vmem>>
    %dma_wait3A_424 = arith.constant 0 : i32
    %dma_wait3A_425 = arith.constant 0 : i32
    %dma_wait3A_426 = tpu.memref_slice %arg15[%dma_wait3A_424, %dma_wait3A_425] : memref<512x128xf32, #tpu.memory_space<vmem_shared>> -> memref<512x128xf32, #tpu.memory_space<vmem_shared>>
    tpu.wait_indirect_dma semaphore(%arg22 : memref<!tpu.dma_semaphore, #tpu.memory_space<semaphore_mem>>) src(%dma_wait3A_420 : memref<96x128xf32, #tpu.memory_space<vmem>>) dst(%dma_wait3A_426 : memref<512x128xf32, #tpu.memory_space<vmem_shared>>)
    %dma_wait3A_427 = arith.constant 13 : i32
    %dma_wait3A_428 = arith.constant 96 : i32
    %dma_wait3A_429 = arith.constant 0 : i32
    %dma_wait3A_430 = tpu.memref_slice %arg8[%dma_wait3A_428, %dma_wait3A_429] : memref<192x128xf32, #tpu.memory_space<vmem>> -> memref<96x128xf32, #tpu.memory_space<vmem>>
    %dma_wait3A_431 = arith.constant 0 : i32
    %dma_wait3A_432 = tpu.memref_slice %arg10[%dma_wait3A_427, %dma_wait3A_431] : memref<32x96xi32, #tpu.memory_space<vmem>> -> memref<1x96xi32, #tpu.memory_space<vmem>>
    %dma_wait3A_433 = tpu.memref_squeeze %dma_wait3A_432 : memref<1x96xi32, #tpu.memory_space<vmem>> -> memref<96xi32, #tpu.memory_space<vmem>>
    %dma_wait3A_434 = arith.constant 0 : i32
    %dma_wait3A_435 = arith.constant 0 : i32
    %dma_wait3A_436 = tpu.memref_slice %arg15[%dma_wait3A_434, %dma_wait3A_435] : memref<512x128xf32, #tpu.memory_space<vmem_shared>> -> memref<512x128xf32, #tpu.memory_space<vmem_shared>>
    tpu.wait_indirect_dma semaphore(%arg22 : memref<!tpu.dma_semaphore, #tpu.memory_space<semaphore_mem>>) src(%dma_wait3A_430 : memref<96x128xf32, #tpu.memory_space<vmem>>) dst(%dma_wait3A_436 : memref<512x128xf32, #tpu.memory_space<vmem_shared>>)
    %add3A_437 = arith.constant 1920 : i32
    %add3A_438 = arith.addi %mul3A_4, %add3A_437 : i32
    %dma_start3A_439 = arith.constant 0 : i32
    %dma_start3A_440 = tpu.memref_slice %arg2[%add3A_438, %dma_start3A_439] : memref<100000x128xf32, #tpu.memory_space<hbm>> -> memref<192x128xf32, #tpu.memory_space<hbm>>
    %dma_start3A_441 = arith.constant 0 : i32
    %dma_start3A_442 = tpu.memref_slice %arg2[%add3A_438, %dma_start3A_441] : memref<100000x128xf32, #tpu.memory_space<hbm>> -> memref<192x128xf32, #tpu.memory_space<hbm>>
    tpu.enqueue_dma source(%dma_start3A_442 : memref<192x128xf32, #tpu.memory_space<hbm>>) target(%arg8 : memref<192x128xf32, #tpu.memory_space<vmem>>) target_semaphore(%arg18 : memref<!tpu.dma_semaphore, #tpu.memory_space<semaphore_mem>>)
    %dma_wait3A_443 = arith.constant 0 : i32
    %dma_wait3A_444 = tpu.memref_slice %arg2[%add3A_388, %dma_wait3A_443] : memref<100000x128xf32, #tpu.memory_space<hbm>> -> memref<192x128xf32, #tpu.memory_space<hbm>>
    %dma_wait3A_445 = arith.constant 0 : i32
    %dma_wait3A_446 = tpu.memref_slice %arg2[%add3A_388, %dma_wait3A_445] : memref<100000x128xf32, #tpu.memory_space<hbm>> -> memref<192x128xf32, #tpu.memory_space<hbm>>
    tpu.wait_dma2 semaphore(%arg17 : memref<!tpu.dma_semaphore, #tpu.memory_space<semaphore_mem>>) src(%dma_wait3A_446 : memref<192x128xf32, #tpu.memory_space<hbm>>) dst(%arg7 : memref<192x128xf32, #tpu.memory_space<vmem>>)
    %dma_start3A_447 = arith.constant 18 : i32
    %dma_start3A_448 = arith.constant 0 : i32
    %dma_start3A_449 = arith.constant 0 : i32
    %dma_start3A_450 = tpu.memref_slice %arg7[%dma_start3A_448, %dma_start3A_449] : memref<192x128xf32, #tpu.memory_space<vmem>> -> memref<96x128xf32, #tpu.memory_space<vmem>>
    %dma_start3A_451 = arith.constant 0 : i32
    %dma_start3A_452 = tpu.memref_slice %arg10[%dma_start3A_447, %dma_start3A_451] : memref<32x96xi32, #tpu.memory_space<vmem>> -> memref<1x96xi32, #tpu.memory_space<vmem>>
    %dma_start3A_453 = tpu.memref_squeeze %dma_start3A_452 : memref<1x96xi32, #tpu.memory_space<vmem>> -> memref<96xi32, #tpu.memory_space<vmem>>
    %dma_start3A_454 = arith.constant 0 : i32
    %dma_start3A_455 = arith.constant 0 : i32
    %dma_start3A_456 = tpu.memref_slice %arg15[%dma_start3A_454, %dma_start3A_455] : memref<512x128xf32, #tpu.memory_space<vmem_shared>> -> memref<512x128xf32, #tpu.memory_space<vmem_shared>>
    tpu.enqueue_indirect_dma source(%dma_start3A_450 : memref<96x128xf32, #tpu.memory_space<vmem>>) target(%dma_start3A_456 : memref<512x128xf32, #tpu.memory_space<vmem_shared>>) offsets(%dma_start3A_453 : memref<96xi32, #tpu.memory_space<vmem>>) semaphore(%arg21 : memref<!tpu.dma_semaphore, #tpu.memory_space<semaphore_mem>>) {add = true}
    %dma_start3A_457 = arith.constant 19 : i32
    %dma_start3A_458 = arith.constant 96 : i32
    %dma_start3A_459 = arith.constant 0 : i32
    %dma_start3A_460 = tpu.memref_slice %arg7[%dma_start3A_458, %dma_start3A_459] : memref<192x128xf32, #tpu.memory_space<vmem>> -> memref<96x128xf32, #tpu.memory_space<vmem>>
    %dma_start3A_461 = arith.constant 0 : i32
    %dma_start3A_462 = tpu.memref_slice %arg10[%dma_start3A_457, %dma_start3A_461] : memref<32x96xi32, #tpu.memory_space<vmem>> -> memref<1x96xi32, #tpu.memory_space<vmem>>
    %dma_start3A_463 = tpu.memref_squeeze %dma_start3A_462 : memref<1x96xi32, #tpu.memory_space<vmem>> -> memref<96xi32, #tpu.memory_space<vmem>>
    %dma_start3A_464 = arith.constant 0 : i32
    %dma_start3A_465 = arith.constant 0 : i32
    %dma_start3A_466 = tpu.memref_slice %arg15[%dma_start3A_464, %dma_start3A_465] : memref<512x128xf32, #tpu.memory_space<vmem_shared>> -> memref<512x128xf32, #tpu.memory_space<vmem_shared>>
    tpu.enqueue_indirect_dma source(%dma_start3A_460 : memref<96x128xf32, #tpu.memory_space<vmem>>) target(%dma_start3A_466 : memref<512x128xf32, #tpu.memory_space<vmem_shared>>) offsets(%dma_start3A_463 : memref<96xi32, #tpu.memory_space<vmem>>) semaphore(%arg21 : memref<!tpu.dma_semaphore, #tpu.memory_space<semaphore_mem>>) {add = true}
    %dma_wait3A_467 = arith.constant 14 : i32
    %dma_wait3A_468 = arith.constant 0 : i32
    %dma_wait3A_469 = arith.constant 0 : i32
    %dma_wait3A_470 = tpu.memref_slice %arg9[%dma_wait3A_468, %dma_wait3A_469] : memref<192x128xf32, #tpu.memory_space<vmem>> -> memref<96x128xf32, #tpu.memory_space<vmem>>
    %dma_wait3A_471 = arith.constant 0 : i32
    %dma_wait3A_472 = tpu.memref_slice %arg10[%dma_wait3A_467, %dma_wait3A_471] : memref<32x96xi32, #tpu.memory_space<vmem>> -> memref<1x96xi32, #tpu.memory_space<vmem>>
    %dma_wait3A_473 = tpu.memref_squeeze %dma_wait3A_472 : memref<1x96xi32, #tpu.memory_space<vmem>> -> memref<96xi32, #tpu.memory_space<vmem>>
    %dma_wait3A_474 = arith.constant 0 : i32
    %dma_wait3A_475 = arith.constant 0 : i32
    %dma_wait3A_476 = tpu.memref_slice %arg15[%dma_wait3A_474, %dma_wait3A_475] : memref<512x128xf32, #tpu.memory_space<vmem_shared>> -> memref<512x128xf32, #tpu.memory_space<vmem_shared>>
    tpu.wait_indirect_dma semaphore(%arg23 : memref<!tpu.dma_semaphore, #tpu.memory_space<semaphore_mem>>) src(%dma_wait3A_470 : memref<96x128xf32, #tpu.memory_space<vmem>>) dst(%dma_wait3A_476 : memref<512x128xf32, #tpu.memory_space<vmem_shared>>)
    %dma_wait3A_477 = arith.constant 15 : i32
    %dma_wait3A_478 = arith.constant 96 : i32
    %dma_wait3A_479 = arith.constant 0 : i32
    %dma_wait3A_480 = tpu.memref_slice %arg9[%dma_wait3A_478, %dma_wait3A_479] : memref<192x128xf32, #tpu.memory_space<vmem>> -> memref<96x128xf32, #tpu.memory_space<vmem>>
    %dma_wait3A_481 = arith.constant 0 : i32
    %dma_wait3A_482 = tpu.memref_slice %arg10[%dma_wait3A_477, %dma_wait3A_481] : memref<32x96xi32, #tpu.memory_space<vmem>> -> memref<1x96xi32, #tpu.memory_space<vmem>>
    %dma_wait3A_483 = tpu.memref_squeeze %dma_wait3A_482 : memref<1x96xi32, #tpu.memory_space<vmem>> -> memref<96xi32, #tpu.memory_space<vmem>>
    %dma_wait3A_484 = arith.constant 0 : i32
    %dma_wait3A_485 = arith.constant 0 : i32
    %dma_wait3A_486 = tpu.memref_slice %arg15[%dma_wait3A_484, %dma_wait3A_485] : memref<512x128xf32, #tpu.memory_space<vmem_shared>> -> memref<512x128xf32, #tpu.memory_space<vmem_shared>>
    tpu.wait_indirect_dma semaphore(%arg23 : memref<!tpu.dma_semaphore, #tpu.memory_space<semaphore_mem>>) src(%dma_wait3A_480 : memref<96x128xf32, #tpu.memory_space<vmem>>) dst(%dma_wait3A_486 : memref<512x128xf32, #tpu.memory_space<vmem_shared>>)
    %add3A_487 = arith.constant 2112 : i32
    %add3A_488 = arith.addi %mul3A_4, %add3A_487 : i32
    %dma_start3A_489 = arith.constant 0 : i32
    %dma_start3A_490 = tpu.memref_slice %arg2[%add3A_488, %dma_start3A_489] : memref<100000x128xf32, #tpu.memory_space<hbm>> -> memref<192x128xf32, #tpu.memory_space<hbm>>
    %dma_start3A_491 = arith.constant 0 : i32
    %dma_start3A_492 = tpu.memref_slice %arg2[%add3A_488, %dma_start3A_491] : memref<100000x128xf32, #tpu.memory_space<hbm>> -> memref<192x128xf32, #tpu.memory_space<hbm>>
    tpu.enqueue_dma source(%dma_start3A_492 : memref<192x128xf32, #tpu.memory_space<hbm>>) target(%arg9 : memref<192x128xf32, #tpu.memory_space<vmem>>) target_semaphore(%arg19 : memref<!tpu.dma_semaphore, #tpu.memory_space<semaphore_mem>>)
    %dma_wait3A_493 = arith.constant 0 : i32
    %dma_wait3A_494 = tpu.memref_slice %arg2[%add3A_438, %dma_wait3A_493] : memref<100000x128xf32, #tpu.memory_space<hbm>> -> memref<192x128xf32, #tpu.memory_space<hbm>>
    %dma_wait3A_495 = arith.constant 0 : i32
    %dma_wait3A_496 = tpu.memref_slice %arg2[%add3A_438, %dma_wait3A_495] : memref<100000x128xf32, #tpu.memory_space<hbm>> -> memref<192x128xf32, #tpu.memory_space<hbm>>
    tpu.wait_dma2 semaphore(%arg18 : memref<!tpu.dma_semaphore, #tpu.memory_space<semaphore_mem>>) src(%dma_wait3A_496 : memref<192x128xf32, #tpu.memory_space<hbm>>) dst(%arg8 : memref<192x128xf32, #tpu.memory_space<vmem>>)
    %dma_start3A_497 = arith.constant 20 : i32
    %dma_start3A_498 = arith.constant 0 : i32
    %dma_start3A_499 = arith.constant 0 : i32
    %dma_start3A_500 = tpu.memref_slice %arg8[%dma_start3A_498, %dma_start3A_499] : memref<192x128xf32, #tpu.memory_space<vmem>> -> memref<96x128xf32, #tpu.memory_space<vmem>>
    %dma_start3A_501 = arith.constant 0 : i32
    %dma_start3A_502 = tpu.memref_slice %arg10[%dma_start3A_497, %dma_start3A_501] : memref<32x96xi32, #tpu.memory_space<vmem>> -> memref<1x96xi32, #tpu.memory_space<vmem>>
    %dma_start3A_503 = tpu.memref_squeeze %dma_start3A_502 : memref<1x96xi32, #tpu.memory_space<vmem>> -> memref<96xi32, #tpu.memory_space<vmem>>
    %dma_start3A_504 = arith.constant 0 : i32
    %dma_start3A_505 = arith.constant 0 : i32
    %dma_start3A_506 = tpu.memref_slice %arg15[%dma_start3A_504, %dma_start3A_505] : memref<512x128xf32, #tpu.memory_space<vmem_shared>> -> memref<512x128xf32, #tpu.memory_space<vmem_shared>>
    tpu.enqueue_indirect_dma source(%dma_start3A_500 : memref<96x128xf32, #tpu.memory_space<vmem>>) target(%dma_start3A_506 : memref<512x128xf32, #tpu.memory_space<vmem_shared>>) offsets(%dma_start3A_503 : memref<96xi32, #tpu.memory_space<vmem>>) semaphore(%arg22 : memref<!tpu.dma_semaphore, #tpu.memory_space<semaphore_mem>>) {add = true}
    %dma_start3A_507 = arith.constant 21 : i32
    %dma_start3A_508 = arith.constant 96 : i32
    %dma_start3A_509 = arith.constant 0 : i32
    %dma_start3A_510 = tpu.memref_slice %arg8[%dma_start3A_508, %dma_start3A_509] : memref<192x128xf32, #tpu.memory_space<vmem>> -> memref<96x128xf32, #tpu.memory_space<vmem>>
    %dma_start3A_511 = arith.constant 0 : i32
    %dma_start3A_512 = tpu.memref_slice %arg10[%dma_start3A_507, %dma_start3A_511] : memref<32x96xi32, #tpu.memory_space<vmem>> -> memref<1x96xi32, #tpu.memory_space<vmem>>
    %dma_start3A_513 = tpu.memref_squeeze %dma_start3A_512 : memref<1x96xi32, #tpu.memory_space<vmem>> -> memref<96xi32, #tpu.memory_space<vmem>>
    %dma_start3A_514 = arith.constant 0 : i32
    %dma_start3A_515 = arith.constant 0 : i32
    %dma_start3A_516 = tpu.memref_slice %arg15[%dma_start3A_514, %dma_start3A_515] : memref<512x128xf32, #tpu.memory_space<vmem_shared>> -> memref<512x128xf32, #tpu.memory_space<vmem_shared>>
    tpu.enqueue_indirect_dma source(%dma_start3A_510 : memref<96x128xf32, #tpu.memory_space<vmem>>) target(%dma_start3A_516 : memref<512x128xf32, #tpu.memory_space<vmem_shared>>) offsets(%dma_start3A_513 : memref<96xi32, #tpu.memory_space<vmem>>) semaphore(%arg22 : memref<!tpu.dma_semaphore, #tpu.memory_space<semaphore_mem>>) {add = true}
    %dma_wait3A_517 = arith.constant 16 : i32
    %dma_wait3A_518 = arith.constant 0 : i32
    %dma_wait3A_519 = arith.constant 0 : i32
    %dma_wait3A_520 = tpu.memref_slice %arg6[%dma_wait3A_518, %dma_wait3A_519] : memref<192x128xf32, #tpu.memory_space<vmem>> -> memref<96x128xf32, #tpu.memory_space<vmem>>
    %dma_wait3A_521 = arith.constant 0 : i32
    %dma_wait3A_522 = tpu.memref_slice %arg10[%dma_wait3A_517, %dma_wait3A_521] : memref<32x96xi32, #tpu.memory_space<vmem>> -> memref<1x96xi32, #tpu.memory_space<vmem>>
    %dma_wait3A_523 = tpu.memref_squeeze %dma_wait3A_522 : memref<1x96xi32, #tpu.memory_space<vmem>> -> memref<96xi32, #tpu.memory_space<vmem>>
    %dma_wait3A_524 = arith.constant 0 : i32
    %dma_wait3A_525 = arith.constant 0 : i32
    %dma_wait3A_526 = tpu.memref_slice %arg15[%dma_wait3A_524, %dma_wait3A_525] : memref<512x128xf32, #tpu.memory_space<vmem_shared>> -> memref<512x128xf32, #tpu.memory_space<vmem_shared>>
    tpu.wait_indirect_dma semaphore(%arg20 : memref<!tpu.dma_semaphore, #tpu.memory_space<semaphore_mem>>) src(%dma_wait3A_520 : memref<96x128xf32, #tpu.memory_space<vmem>>) dst(%dma_wait3A_526 : memref<512x128xf32, #tpu.memory_space<vmem_shared>>)
    %dma_wait3A_527 = arith.constant 17 : i32
    %dma_wait3A_528 = arith.constant 96 : i32
    %dma_wait3A_529 = arith.constant 0 : i32
    %dma_wait3A_530 = tpu.memref_slice %arg6[%dma_wait3A_528, %dma_wait3A_529] : memref<192x128xf32, #tpu.memory_space<vmem>> -> memref<96x128xf32, #tpu.memory_space<vmem>>
    %dma_wait3A_531 = arith.constant 0 : i32
    %dma_wait3A_532 = tpu.memref_slice %arg10[%dma_wait3A_527, %dma_wait3A_531] : memref<32x96xi32, #tpu.memory_space<vmem>> -> memref<1x96xi32, #tpu.memory_space<vmem>>
    %dma_wait3A_533 = tpu.memref_squeeze %dma_wait3A_532 : memref<1x96xi32, #tpu.memory_space<vmem>> -> memref<96xi32, #tpu.memory_space<vmem>>
    %dma_wait3A_534 = arith.constant 0 : i32
    %dma_wait3A_535 = arith.constant 0 : i32
    %dma_wait3A_536 = tpu.memref_slice %arg15[%dma_wait3A_534, %dma_wait3A_535] : memref<512x128xf32, #tpu.memory_space<vmem_shared>> -> memref<512x128xf32, #tpu.memory_space<vmem_shared>>
    tpu.wait_indirect_dma semaphore(%arg20 : memref<!tpu.dma_semaphore, #tpu.memory_space<semaphore_mem>>) src(%dma_wait3A_530 : memref<96x128xf32, #tpu.memory_space<vmem>>) dst(%dma_wait3A_536 : memref<512x128xf32, #tpu.memory_space<vmem_shared>>)
    %add3A_537 = arith.constant 2304 : i32
    %add3A_538 = arith.addi %mul3A_4, %add3A_537 : i32
    %dma_start3A_539 = arith.constant 0 : i32
    %dma_start3A_540 = tpu.memref_slice %arg2[%add3A_538, %dma_start3A_539] : memref<100000x128xf32, #tpu.memory_space<hbm>> -> memref<192x128xf32, #tpu.memory_space<hbm>>
    %dma_start3A_541 = arith.constant 0 : i32
    %dma_start3A_542 = tpu.memref_slice %arg2[%add3A_538, %dma_start3A_541] : memref<100000x128xf32, #tpu.memory_space<hbm>> -> memref<192x128xf32, #tpu.memory_space<hbm>>
    tpu.enqueue_dma source(%dma_start3A_542 : memref<192x128xf32, #tpu.memory_space<hbm>>) target(%arg6 : memref<192x128xf32, #tpu.memory_space<vmem>>) target_semaphore(%arg16 : memref<!tpu.dma_semaphore, #tpu.memory_space<semaphore_mem>>)
    %dma_wait3A_543 = arith.constant 0 : i32
    %dma_wait3A_544 = tpu.memref_slice %arg2[%add3A_488, %dma_wait3A_543] : memref<100000x128xf32, #tpu.memory_space<hbm>> -> memref<192x128xf32, #tpu.memory_space<hbm>>
    %dma_wait3A_545 = arith.constant 0 : i32
    %dma_wait3A_546 = tpu.memref_slice %arg2[%add3A_488, %dma_wait3A_545] : memref<100000x128xf32, #tpu.memory_space<hbm>> -> memref<192x128xf32, #tpu.memory_space<hbm>>
    tpu.wait_dma2 semaphore(%arg19 : memref<!tpu.dma_semaphore, #tpu.memory_space<semaphore_mem>>) src(%dma_wait3A_546 : memref<192x128xf32, #tpu.memory_space<hbm>>) dst(%arg9 : memref<192x128xf32, #tpu.memory_space<vmem>>)
    %dma_start3A_547 = arith.constant 22 : i32
    %dma_start3A_548 = arith.constant 0 : i32
    %dma_start3A_549 = arith.constant 0 : i32
    %dma_start3A_550 = tpu.memref_slice %arg9[%dma_start3A_548, %dma_start3A_549] : memref<192x128xf32, #tpu.memory_space<vmem>> -> memref<96x128xf32, #tpu.memory_space<vmem>>
    %dma_start3A_551 = arith.constant 0 : i32
    %dma_start3A_552 = tpu.memref_slice %arg10[%dma_start3A_547, %dma_start3A_551] : memref<32x96xi32, #tpu.memory_space<vmem>> -> memref<1x96xi32, #tpu.memory_space<vmem>>
    %dma_start3A_553 = tpu.memref_squeeze %dma_start3A_552 : memref<1x96xi32, #tpu.memory_space<vmem>> -> memref<96xi32, #tpu.memory_space<vmem>>
    %dma_start3A_554 = arith.constant 0 : i32
    %dma_start3A_555 = arith.constant 0 : i32
    %dma_start3A_556 = tpu.memref_slice %arg15[%dma_start3A_554, %dma_start3A_555] : memref<512x128xf32, #tpu.memory_space<vmem_shared>> -> memref<512x128xf32, #tpu.memory_space<vmem_shared>>
    tpu.enqueue_indirect_dma source(%dma_start3A_550 : memref<96x128xf32, #tpu.memory_space<vmem>>) target(%dma_start3A_556 : memref<512x128xf32, #tpu.memory_space<vmem_shared>>) offsets(%dma_start3A_553 : memref<96xi32, #tpu.memory_space<vmem>>) semaphore(%arg23 : memref<!tpu.dma_semaphore, #tpu.memory_space<semaphore_mem>>) {add = true}
    %dma_start3A_557 = arith.constant 23 : i32
    %dma_start3A_558 = arith.constant 96 : i32
    %dma_start3A_559 = arith.constant 0 : i32
    %dma_start3A_560 = tpu.memref_slice %arg9[%dma_start3A_558, %dma_start3A_559] : memref<192x128xf32, #tpu.memory_space<vmem>> -> memref<96x128xf32, #tpu.memory_space<vmem>>
    %dma_start3A_561 = arith.constant 0 : i32
    %dma_start3A_562 = tpu.memref_slice %arg10[%dma_start3A_557, %dma_start3A_561] : memref<32x96xi32, #tpu.memory_space<vmem>> -> memref<1x96xi32, #tpu.memory_space<vmem>>
    %dma_start3A_563 = tpu.memref_squeeze %dma_start3A_562 : memref<1x96xi32, #tpu.memory_space<vmem>> -> memref<96xi32, #tpu.memory_space<vmem>>
    %dma_start3A_564 = arith.constant 0 : i32
    %dma_start3A_565 = arith.constant 0 : i32
    %dma_start3A_566 = tpu.memref_slice %arg15[%dma_start3A_564, %dma_start3A_565] : memref<512x128xf32, #tpu.memory_space<vmem_shared>> -> memref<512x128xf32, #tpu.memory_space<vmem_shared>>
    tpu.enqueue_indirect_dma source(%dma_start3A_560 : memref<96x128xf32, #tpu.memory_space<vmem>>) target(%dma_start3A_566 : memref<512x128xf32, #tpu.memory_space<vmem_shared>>) offsets(%dma_start3A_563 : memref<96xi32, #tpu.memory_space<vmem>>) semaphore(%arg23 : memref<!tpu.dma_semaphore, #tpu.memory_space<semaphore_mem>>) {add = true}
    %dma_wait3A_567 = arith.constant 18 : i32
    %dma_wait3A_568 = arith.constant 0 : i32
    %dma_wait3A_569 = arith.constant 0 : i32
    %dma_wait3A_570 = tpu.memref_slice %arg7[%dma_wait3A_568, %dma_wait3A_569] : memref<192x128xf32, #tpu.memory_space<vmem>> -> memref<96x128xf32, #tpu.memory_space<vmem>>
    %dma_wait3A_571 = arith.constant 0 : i32
    %dma_wait3A_572 = tpu.memref_slice %arg10[%dma_wait3A_567, %dma_wait3A_571] : memref<32x96xi32, #tpu.memory_space<vmem>> -> memref<1x96xi32, #tpu.memory_space<vmem>>
    %dma_wait3A_573 = tpu.memref_squeeze %dma_wait3A_572 : memref<1x96xi32, #tpu.memory_space<vmem>> -> memref<96xi32, #tpu.memory_space<vmem>>
    %dma_wait3A_574 = arith.constant 0 : i32
    %dma_wait3A_575 = arith.constant 0 : i32
    %dma_wait3A_576 = tpu.memref_slice %arg15[%dma_wait3A_574, %dma_wait3A_575] : memref<512x128xf32, #tpu.memory_space<vmem_shared>> -> memref<512x128xf32, #tpu.memory_space<vmem_shared>>
    tpu.wait_indirect_dma semaphore(%arg21 : memref<!tpu.dma_semaphore, #tpu.memory_space<semaphore_mem>>) src(%dma_wait3A_570 : memref<96x128xf32, #tpu.memory_space<vmem>>) dst(%dma_wait3A_576 : memref<512x128xf32, #tpu.memory_space<vmem_shared>>)
    %dma_wait3A_577 = arith.constant 19 : i32
    %dma_wait3A_578 = arith.constant 96 : i32
    %dma_wait3A_579 = arith.constant 0 : i32
    %dma_wait3A_580 = tpu.memref_slice %arg7[%dma_wait3A_578, %dma_wait3A_579] : memref<192x128xf32, #tpu.memory_space<vmem>> -> memref<96x128xf32, #tpu.memory_space<vmem>>
    %dma_wait3A_581 = arith.constant 0 : i32
    %dma_wait3A_582 = tpu.memref_slice %arg10[%dma_wait3A_577, %dma_wait3A_581] : memref<32x96xi32, #tpu.memory_space<vmem>> -> memref<1x96xi32, #tpu.memory_space<vmem>>
    %dma_wait3A_583 = tpu.memref_squeeze %dma_wait3A_582 : memref<1x96xi32, #tpu.memory_space<vmem>> -> memref<96xi32, #tpu.memory_space<vmem>>
    %dma_wait3A_584 = arith.constant 0 : i32
    %dma_wait3A_585 = arith.constant 0 : i32
    %dma_wait3A_586 = tpu.memref_slice %arg15[%dma_wait3A_584, %dma_wait3A_585] : memref<512x128xf32, #tpu.memory_space<vmem_shared>> -> memref<512x128xf32, #tpu.memory_space<vmem_shared>>
    tpu.wait_indirect_dma semaphore(%arg21 : memref<!tpu.dma_semaphore, #tpu.memory_space<semaphore_mem>>) src(%dma_wait3A_580 : memref<96x128xf32, #tpu.memory_space<vmem>>) dst(%dma_wait3A_586 : memref<512x128xf32, #tpu.memory_space<vmem_shared>>)
    %add3A_587 = arith.constant 2496 : i32
    %add3A_588 = arith.addi %mul3A_4, %add3A_587 : i32
    %dma_start3A_589 = arith.constant 0 : i32
    %dma_start3A_590 = tpu.memref_slice %arg2[%add3A_588, %dma_start3A_589] : memref<100000x128xf32, #tpu.memory_space<hbm>> -> memref<192x128xf32, #tpu.memory_space<hbm>>
    %dma_start3A_591 = arith.constant 0 : i32
    %dma_start3A_592 = tpu.memref_slice %arg2[%add3A_588, %dma_start3A_591] : memref<100000x128xf32, #tpu.memory_space<hbm>> -> memref<192x128xf32, #tpu.memory_space<hbm>>
    tpu.enqueue_dma source(%dma_start3A_592 : memref<192x128xf32, #tpu.memory_space<hbm>>) target(%arg7 : memref<192x128xf32, #tpu.memory_space<vmem>>) target_semaphore(%arg17 : memref<!tpu.dma_semaphore, #tpu.memory_space<semaphore_mem>>)
    %dma_wait3A_593 = arith.constant 0 : i32
    %dma_wait3A_594 = tpu.memref_slice %arg2[%add3A_538, %dma_wait3A_593] : memref<100000x128xf32, #tpu.memory_space<hbm>> -> memref<192x128xf32, #tpu.memory_space<hbm>>
    %dma_wait3A_595 = arith.constant 0 : i32
    %dma_wait3A_596 = tpu.memref_slice %arg2[%add3A_538, %dma_wait3A_595] : memref<100000x128xf32, #tpu.memory_space<hbm>> -> memref<192x128xf32, #tpu.memory_space<hbm>>
    tpu.wait_dma2 semaphore(%arg16 : memref<!tpu.dma_semaphore, #tpu.memory_space<semaphore_mem>>) src(%dma_wait3A_596 : memref<192x128xf32, #tpu.memory_space<hbm>>) dst(%arg6 : memref<192x128xf32, #tpu.memory_space<vmem>>)
    %dma_start3A_597 = arith.constant 24 : i32
    %dma_start3A_598 = arith.constant 0 : i32
    %dma_start3A_599 = arith.constant 0 : i32
    %dma_start3A_600 = tpu.memref_slice %arg6[%dma_start3A_598, %dma_start3A_599] : memref<192x128xf32, #tpu.memory_space<vmem>> -> memref<96x128xf32, #tpu.memory_space<vmem>>
    %dma_start3A_601 = arith.constant 0 : i32
    %dma_start3A_602 = tpu.memref_slice %arg10[%dma_start3A_597, %dma_start3A_601] : memref<32x96xi32, #tpu.memory_space<vmem>> -> memref<1x96xi32, #tpu.memory_space<vmem>>
    %dma_start3A_603 = tpu.memref_squeeze %dma_start3A_602 : memref<1x96xi32, #tpu.memory_space<vmem>> -> memref<96xi32, #tpu.memory_space<vmem>>
    %dma_start3A_604 = arith.constant 0 : i32
    %dma_start3A_605 = arith.constant 0 : i32
    %dma_start3A_606 = tpu.memref_slice %arg15[%dma_start3A_604, %dma_start3A_605] : memref<512x128xf32, #tpu.memory_space<vmem_shared>> -> memref<512x128xf32, #tpu.memory_space<vmem_shared>>
    tpu.enqueue_indirect_dma source(%dma_start3A_600 : memref<96x128xf32, #tpu.memory_space<vmem>>) target(%dma_start3A_606 : memref<512x128xf32, #tpu.memory_space<vmem_shared>>) offsets(%dma_start3A_603 : memref<96xi32, #tpu.memory_space<vmem>>) semaphore(%arg20 : memref<!tpu.dma_semaphore, #tpu.memory_space<semaphore_mem>>) {add = true}
    %dma_start3A_607 = arith.constant 25 : i32
    %dma_start3A_608 = arith.constant 96 : i32
    %dma_start3A_609 = arith.constant 0 : i32
    %dma_start3A_610 = tpu.memref_slice %arg6[%dma_start3A_608, %dma_start3A_609] : memref<192x128xf32, #tpu.memory_space<vmem>> -> memref<96x128xf32, #tpu.memory_space<vmem>>
    %dma_start3A_611 = arith.constant 0 : i32
    %dma_start3A_612 = tpu.memref_slice %arg10[%dma_start3A_607, %dma_start3A_611] : memref<32x96xi32, #tpu.memory_space<vmem>> -> memref<1x96xi32, #tpu.memory_space<vmem>>
    %dma_start3A_613 = tpu.memref_squeeze %dma_start3A_612 : memref<1x96xi32, #tpu.memory_space<vmem>> -> memref<96xi32, #tpu.memory_space<vmem>>
    %dma_start3A_614 = arith.constant 0 : i32
    %dma_start3A_615 = arith.constant 0 : i32
    %dma_start3A_616 = tpu.memref_slice %arg15[%dma_start3A_614, %dma_start3A_615] : memref<512x128xf32, #tpu.memory_space<vmem_shared>> -> memref<512x128xf32, #tpu.memory_space<vmem_shared>>
    tpu.enqueue_indirect_dma source(%dma_start3A_610 : memref<96x128xf32, #tpu.memory_space<vmem>>) target(%dma_start3A_616 : memref<512x128xf32, #tpu.memory_space<vmem_shared>>) offsets(%dma_start3A_613 : memref<96xi32, #tpu.memory_space<vmem>>) semaphore(%arg20 : memref<!tpu.dma_semaphore, #tpu.memory_space<semaphore_mem>>) {add = true}
    %dma_wait3A_617 = arith.constant 20 : i32
    %dma_wait3A_618 = arith.constant 0 : i32
    %dma_wait3A_619 = arith.constant 0 : i32
    %dma_wait3A_620 = tpu.memref_slice %arg8[%dma_wait3A_618, %dma_wait3A_619] : memref<192x128xf32, #tpu.memory_space<vmem>> -> memref<96x128xf32, #tpu.memory_space<vmem>>
    %dma_wait3A_621 = arith.constant 0 : i32
    %dma_wait3A_622 = tpu.memref_slice %arg10[%dma_wait3A_617, %dma_wait3A_621] : memref<32x96xi32, #tpu.memory_space<vmem>> -> memref<1x96xi32, #tpu.memory_space<vmem>>
    %dma_wait3A_623 = tpu.memref_squeeze %dma_wait3A_622 : memref<1x96xi32, #tpu.memory_space<vmem>> -> memref<96xi32, #tpu.memory_space<vmem>>
    %dma_wait3A_624 = arith.constant 0 : i32
    %dma_wait3A_625 = arith.constant 0 : i32
    %dma_wait3A_626 = tpu.memref_slice %arg15[%dma_wait3A_624, %dma_wait3A_625] : memref<512x128xf32, #tpu.memory_space<vmem_shared>> -> memref<512x128xf32, #tpu.memory_space<vmem_shared>>
    tpu.wait_indirect_dma semaphore(%arg22 : memref<!tpu.dma_semaphore, #tpu.memory_space<semaphore_mem>>) src(%dma_wait3A_620 : memref<96x128xf32, #tpu.memory_space<vmem>>) dst(%dma_wait3A_626 : memref<512x128xf32, #tpu.memory_space<vmem_shared>>)
    %dma_wait3A_627 = arith.constant 21 : i32
    %dma_wait3A_628 = arith.constant 96 : i32
    %dma_wait3A_629 = arith.constant 0 : i32
    %dma_wait3A_630 = tpu.memref_slice %arg8[%dma_wait3A_628, %dma_wait3A_629] : memref<192x128xf32, #tpu.memory_space<vmem>> -> memref<96x128xf32, #tpu.memory_space<vmem>>
    %dma_wait3A_631 = arith.constant 0 : i32
    %dma_wait3A_632 = tpu.memref_slice %arg10[%dma_wait3A_627, %dma_wait3A_631] : memref<32x96xi32, #tpu.memory_space<vmem>> -> memref<1x96xi32, #tpu.memory_space<vmem>>
    %dma_wait3A_633 = tpu.memref_squeeze %dma_wait3A_632 : memref<1x96xi32, #tpu.memory_space<vmem>> -> memref<96xi32, #tpu.memory_space<vmem>>
    %dma_wait3A_634 = arith.constant 0 : i32
    %dma_wait3A_635 = arith.constant 0 : i32
    %dma_wait3A_636 = tpu.memref_slice %arg15[%dma_wait3A_634, %dma_wait3A_635] : memref<512x128xf32, #tpu.memory_space<vmem_shared>> -> memref<512x128xf32, #tpu.memory_space<vmem_shared>>
    tpu.wait_indirect_dma semaphore(%arg22 : memref<!tpu.dma_semaphore, #tpu.memory_space<semaphore_mem>>) src(%dma_wait3A_630 : memref<96x128xf32, #tpu.memory_space<vmem>>) dst(%dma_wait3A_636 : memref<512x128xf32, #tpu.memory_space<vmem_shared>>)
    %add3A_637 = arith.constant 2688 : i32
    %add3A_638 = arith.addi %mul3A_4, %add3A_637 : i32
    %dma_start3A_639 = arith.constant 0 : i32
    %dma_start3A_640 = tpu.memref_slice %arg2[%add3A_638, %dma_start3A_639] : memref<100000x128xf32, #tpu.memory_space<hbm>> -> memref<192x128xf32, #tpu.memory_space<hbm>>
    %dma_start3A_641 = arith.constant 0 : i32
    %dma_start3A_642 = tpu.memref_slice %arg2[%add3A_638, %dma_start3A_641] : memref<100000x128xf32, #tpu.memory_space<hbm>> -> memref<192x128xf32, #tpu.memory_space<hbm>>
    tpu.enqueue_dma source(%dma_start3A_642 : memref<192x128xf32, #tpu.memory_space<hbm>>) target(%arg8 : memref<192x128xf32, #tpu.memory_space<vmem>>) target_semaphore(%arg18 : memref<!tpu.dma_semaphore, #tpu.memory_space<semaphore_mem>>)
    %dma_wait3A_643 = arith.constant 0 : i32
    %dma_wait3A_644 = tpu.memref_slice %arg2[%add3A_588, %dma_wait3A_643] : memref<100000x128xf32, #tpu.memory_space<hbm>> -> memref<192x128xf32, #tpu.memory_space<hbm>>
    %dma_wait3A_645 = arith.constant 0 : i32
    %dma_wait3A_646 = tpu.memref_slice %arg2[%add3A_588, %dma_wait3A_645] : memref<100000x128xf32, #tpu.memory_space<hbm>> -> memref<192x128xf32, #tpu.memory_space<hbm>>
    tpu.wait_dma2 semaphore(%arg17 : memref<!tpu.dma_semaphore, #tpu.memory_space<semaphore_mem>>) src(%dma_wait3A_646 : memref<192x128xf32, #tpu.memory_space<hbm>>) dst(%arg7 : memref<192x128xf32, #tpu.memory_space<vmem>>)
    %dma_start3A_647 = arith.constant 26 : i32
    %dma_start3A_648 = arith.constant 0 : i32
    %dma_start3A_649 = arith.constant 0 : i32
    %dma_start3A_650 = tpu.memref_slice %arg7[%dma_start3A_648, %dma_start3A_649] : memref<192x128xf32, #tpu.memory_space<vmem>> -> memref<96x128xf32, #tpu.memory_space<vmem>>
    %dma_start3A_651 = arith.constant 0 : i32
    %dma_start3A_652 = tpu.memref_slice %arg10[%dma_start3A_647, %dma_start3A_651] : memref<32x96xi32, #tpu.memory_space<vmem>> -> memref<1x96xi32, #tpu.memory_space<vmem>>
    %dma_start3A_653 = tpu.memref_squeeze %dma_start3A_652 : memref<1x96xi32, #tpu.memory_space<vmem>> -> memref<96xi32, #tpu.memory_space<vmem>>
    %dma_start3A_654 = arith.constant 0 : i32
    %dma_start3A_655 = arith.constant 0 : i32
    %dma_start3A_656 = tpu.memref_slice %arg15[%dma_start3A_654, %dma_start3A_655] : memref<512x128xf32, #tpu.memory_space<vmem_shared>> -> memref<512x128xf32, #tpu.memory_space<vmem_shared>>
    tpu.enqueue_indirect_dma source(%dma_start3A_650 : memref<96x128xf32, #tpu.memory_space<vmem>>) target(%dma_start3A_656 : memref<512x128xf32, #tpu.memory_space<vmem_shared>>) offsets(%dma_start3A_653 : memref<96xi32, #tpu.memory_space<vmem>>) semaphore(%arg21 : memref<!tpu.dma_semaphore, #tpu.memory_space<semaphore_mem>>) {add = true}
    %dma_start3A_657 = arith.constant 27 : i32
    %dma_start3A_658 = arith.constant 96 : i32
    %dma_start3A_659 = arith.constant 0 : i32
    %dma_start3A_660 = tpu.memref_slice %arg7[%dma_start3A_658, %dma_start3A_659] : memref<192x128xf32, #tpu.memory_space<vmem>> -> memref<96x128xf32, #tpu.memory_space<vmem>>
    %dma_start3A_661 = arith.constant 0 : i32
    %dma_start3A_662 = tpu.memref_slice %arg10[%dma_start3A_657, %dma_start3A_661] : memref<32x96xi32, #tpu.memory_space<vmem>> -> memref<1x96xi32, #tpu.memory_space<vmem>>
    %dma_start3A_663 = tpu.memref_squeeze %dma_start3A_662 : memref<1x96xi32, #tpu.memory_space<vmem>> -> memref<96xi32, #tpu.memory_space<vmem>>
    %dma_start3A_664 = arith.constant 0 : i32
    %dma_start3A_665 = arith.constant 0 : i32
    %dma_start3A_666 = tpu.memref_slice %arg15[%dma_start3A_664, %dma_start3A_665] : memref<512x128xf32, #tpu.memory_space<vmem_shared>> -> memref<512x128xf32, #tpu.memory_space<vmem_shared>>
    tpu.enqueue_indirect_dma source(%dma_start3A_660 : memref<96x128xf32, #tpu.memory_space<vmem>>) target(%dma_start3A_666 : memref<512x128xf32, #tpu.memory_space<vmem_shared>>) offsets(%dma_start3A_663 : memref<96xi32, #tpu.memory_space<vmem>>) semaphore(%arg21 : memref<!tpu.dma_semaphore, #tpu.memory_space<semaphore_mem>>) {add = true}
    %dma_wait3A_667 = arith.constant 22 : i32
    %dma_wait3A_668 = arith.constant 0 : i32
    %dma_wait3A_669 = arith.constant 0 : i32
    %dma_wait3A_670 = tpu.memref_slice %arg9[%dma_wait3A_668, %dma_wait3A_669] : memref<192x128xf32, #tpu.memory_space<vmem>> -> memref<96x128xf32, #tpu.memory_space<vmem>>
    %dma_wait3A_671 = arith.constant 0 : i32
    %dma_wait3A_672 = tpu.memref_slice %arg10[%dma_wait3A_667, %dma_wait3A_671] : memref<32x96xi32, #tpu.memory_space<vmem>> -> memref<1x96xi32, #tpu.memory_space<vmem>>
    %dma_wait3A_673 = tpu.memref_squeeze %dma_wait3A_672 : memref<1x96xi32, #tpu.memory_space<vmem>> -> memref<96xi32, #tpu.memory_space<vmem>>
    %dma_wait3A_674 = arith.constant 0 : i32
    %dma_wait3A_675 = arith.constant 0 : i32
    %dma_wait3A_676 = tpu.memref_slice %arg15[%dma_wait3A_674, %dma_wait3A_675] : memref<512x128xf32, #tpu.memory_space<vmem_shared>> -> memref<512x128xf32, #tpu.memory_space<vmem_shared>>
    tpu.wait_indirect_dma semaphore(%arg23 : memref<!tpu.dma_semaphore, #tpu.memory_space<semaphore_mem>>) src(%dma_wait3A_670 : memref<96x128xf32, #tpu.memory_space<vmem>>) dst(%dma_wait3A_676 : memref<512x128xf32, #tpu.memory_space<vmem_shared>>)
    %dma_wait3A_677 = arith.constant 23 : i32
    %dma_wait3A_678 = arith.constant 96 : i32
    %dma_wait3A_679 = arith.constant 0 : i32
    %dma_wait3A_680 = tpu.memref_slice %arg9[%dma_wait3A_678, %dma_wait3A_679] : memref<192x128xf32, #tpu.memory_space<vmem>> -> memref<96x128xf32, #tpu.memory_space<vmem>>
    %dma_wait3A_681 = arith.constant 0 : i32
    %dma_wait3A_682 = tpu.memref_slice %arg10[%dma_wait3A_677, %dma_wait3A_681] : memref<32x96xi32, #tpu.memory_space<vmem>> -> memref<1x96xi32, #tpu.memory_space<vmem>>
    %dma_wait3A_683 = tpu.memref_squeeze %dma_wait3A_682 : memref<1x96xi32, #tpu.memory_space<vmem>> -> memref<96xi32, #tpu.memory_space<vmem>>
    %dma_wait3A_684 = arith.constant 0 : i32
    %dma_wait3A_685 = arith.constant 0 : i32
    %dma_wait3A_686 = tpu.memref_slice %arg15[%dma_wait3A_684, %dma_wait3A_685] : memref<512x128xf32, #tpu.memory_space<vmem_shared>> -> memref<512x128xf32, #tpu.memory_space<vmem_shared>>
    tpu.wait_indirect_dma semaphore(%arg23 : memref<!tpu.dma_semaphore, #tpu.memory_space<semaphore_mem>>) src(%dma_wait3A_680 : memref<96x128xf32, #tpu.memory_space<vmem>>) dst(%dma_wait3A_686 : memref<512x128xf32, #tpu.memory_space<vmem_shared>>)
    %add3A_687 = arith.constant 2880 : i32
    %add3A_688 = arith.addi %mul3A_4, %add3A_687 : i32
    %dma_start3A_689 = arith.constant 0 : i32
    %dma_start3A_690 = tpu.memref_slice %arg2[%add3A_688, %dma_start3A_689] : memref<100000x128xf32, #tpu.memory_space<hbm>> -> memref<192x128xf32, #tpu.memory_space<hbm>>
    %dma_start3A_691 = arith.constant 0 : i32
    %dma_start3A_692 = tpu.memref_slice %arg2[%add3A_688, %dma_start3A_691] : memref<100000x128xf32, #tpu.memory_space<hbm>> -> memref<192x128xf32, #tpu.memory_space<hbm>>
    tpu.enqueue_dma source(%dma_start3A_692 : memref<192x128xf32, #tpu.memory_space<hbm>>) target(%arg9 : memref<192x128xf32, #tpu.memory_space<vmem>>) target_semaphore(%arg19 : memref<!tpu.dma_semaphore, #tpu.memory_space<semaphore_mem>>)
    %dma_wait3A_693 = arith.constant 0 : i32
    %dma_wait3A_694 = tpu.memref_slice %arg2[%add3A_638, %dma_wait3A_693] : memref<100000x128xf32, #tpu.memory_space<hbm>> -> memref<192x128xf32, #tpu.memory_space<hbm>>
    %dma_wait3A_695 = arith.constant 0 : i32
    %dma_wait3A_696 = tpu.memref_slice %arg2[%add3A_638, %dma_wait3A_695] : memref<100000x128xf32, #tpu.memory_space<hbm>> -> memref<192x128xf32, #tpu.memory_space<hbm>>
    tpu.wait_dma2 semaphore(%arg18 : memref<!tpu.dma_semaphore, #tpu.memory_space<semaphore_mem>>) src(%dma_wait3A_696 : memref<192x128xf32, #tpu.memory_space<hbm>>) dst(%arg8 : memref<192x128xf32, #tpu.memory_space<vmem>>)
    %dma_start3A_697 = arith.constant 28 : i32
    %dma_start3A_698 = arith.constant 0 : i32
    %dma_start3A_699 = arith.constant 0 : i32
    %dma_start3A_700 = tpu.memref_slice %arg8[%dma_start3A_698, %dma_start3A_699] : memref<192x128xf32, #tpu.memory_space<vmem>> -> memref<96x128xf32, #tpu.memory_space<vmem>>
    %dma_start3A_701 = arith.constant 0 : i32
    %dma_start3A_702 = tpu.memref_slice %arg10[%dma_start3A_697, %dma_start3A_701] : memref<32x96xi32, #tpu.memory_space<vmem>> -> memref<1x96xi32, #tpu.memory_space<vmem>>
    %dma_start3A_703 = tpu.memref_squeeze %dma_start3A_702 : memref<1x96xi32, #tpu.memory_space<vmem>> -> memref<96xi32, #tpu.memory_space<vmem>>
    %dma_start3A_704 = arith.constant 0 : i32
    %dma_start3A_705 = arith.constant 0 : i32
    %dma_start3A_706 = tpu.memref_slice %arg15[%dma_start3A_704, %dma_start3A_705] : memref<512x128xf32, #tpu.memory_space<vmem_shared>> -> memref<512x128xf32, #tpu.memory_space<vmem_shared>>
    tpu.enqueue_indirect_dma source(%dma_start3A_700 : memref<96x128xf32, #tpu.memory_space<vmem>>) target(%dma_start3A_706 : memref<512x128xf32, #tpu.memory_space<vmem_shared>>) offsets(%dma_start3A_703 : memref<96xi32, #tpu.memory_space<vmem>>) semaphore(%arg22 : memref<!tpu.dma_semaphore, #tpu.memory_space<semaphore_mem>>) {add = true}
    %dma_start3A_707 = arith.constant 29 : i32
    %dma_start3A_708 = arith.constant 96 : i32
    %dma_start3A_709 = arith.constant 0 : i32
    %dma_start3A_710 = tpu.memref_slice %arg8[%dma_start3A_708, %dma_start3A_709] : memref<192x128xf32, #tpu.memory_space<vmem>> -> memref<96x128xf32, #tpu.memory_space<vmem>>
    %dma_start3A_711 = arith.constant 0 : i32
    %dma_start3A_712 = tpu.memref_slice %arg10[%dma_start3A_707, %dma_start3A_711] : memref<32x96xi32, #tpu.memory_space<vmem>> -> memref<1x96xi32, #tpu.memory_space<vmem>>
    %dma_start3A_713 = tpu.memref_squeeze %dma_start3A_712 : memref<1x96xi32, #tpu.memory_space<vmem>> -> memref<96xi32, #tpu.memory_space<vmem>>
    %dma_start3A_714 = arith.constant 0 : i32
    %dma_start3A_715 = arith.constant 0 : i32
    %dma_start3A_716 = tpu.memref_slice %arg15[%dma_start3A_714, %dma_start3A_715] : memref<512x128xf32, #tpu.memory_space<vmem_shared>> -> memref<512x128xf32, #tpu.memory_space<vmem_shared>>
    tpu.enqueue_indirect_dma source(%dma_start3A_710 : memref<96x128xf32, #tpu.memory_space<vmem>>) target(%dma_start3A_716 : memref<512x128xf32, #tpu.memory_space<vmem_shared>>) offsets(%dma_start3A_713 : memref<96xi32, #tpu.memory_space<vmem>>) semaphore(%arg22 : memref<!tpu.dma_semaphore, #tpu.memory_space<semaphore_mem>>) {add = true}
    %dma_wait3A_717 = arith.constant 0 : i32
    %dma_wait3A_718 = tpu.memref_slice %arg2[%add3A_688, %dma_wait3A_717] : memref<100000x128xf32, #tpu.memory_space<hbm>> -> memref<192x128xf32, #tpu.memory_space<hbm>>
    %dma_wait3A_719 = arith.constant 0 : i32
    %dma_wait3A_720 = tpu.memref_slice %arg2[%add3A_688, %dma_wait3A_719] : memref<100000x128xf32, #tpu.memory_space<hbm>> -> memref<192x128xf32, #tpu.memory_space<hbm>>
    tpu.wait_dma2 semaphore(%arg19 : memref<!tpu.dma_semaphore, #tpu.memory_space<semaphore_mem>>) src(%dma_wait3A_720 : memref<192x128xf32, #tpu.memory_space<hbm>>) dst(%arg9 : memref<192x128xf32, #tpu.memory_space<vmem>>)
    %dma_start3A_721 = arith.constant 30 : i32
    %dma_start3A_722 = arith.constant 0 : i32
    %dma_start3A_723 = arith.constant 0 : i32
    %dma_start3A_724 = tpu.memref_slice %arg9[%dma_start3A_722, %dma_start3A_723] : memref<192x128xf32, #tpu.memory_space<vmem>> -> memref<96x128xf32, #tpu.memory_space<vmem>>
    %dma_start3A_725 = arith.constant 0 : i32
    %dma_start3A_726 = tpu.memref_slice %arg10[%dma_start3A_721, %dma_start3A_725] : memref<32x96xi32, #tpu.memory_space<vmem>> -> memref<1x96xi32, #tpu.memory_space<vmem>>
    %dma_start3A_727 = tpu.memref_squeeze %dma_start3A_726 : memref<1x96xi32, #tpu.memory_space<vmem>> -> memref<96xi32, #tpu.memory_space<vmem>>
    %dma_start3A_728 = arith.constant 0 : i32
    %dma_start3A_729 = arith.constant 0 : i32
    %dma_start3A_730 = tpu.memref_slice %arg15[%dma_start3A_728, %dma_start3A_729] : memref<512x128xf32, #tpu.memory_space<vmem_shared>> -> memref<512x128xf32, #tpu.memory_space<vmem_shared>>
    tpu.enqueue_indirect_dma source(%dma_start3A_724 : memref<96x128xf32, #tpu.memory_space<vmem>>) target(%dma_start3A_730 : memref<512x128xf32, #tpu.memory_space<vmem_shared>>) offsets(%dma_start3A_727 : memref<96xi32, #tpu.memory_space<vmem>>) semaphore(%arg23 : memref<!tpu.dma_semaphore, #tpu.memory_space<semaphore_mem>>) {add = true}
    %dma_start3A_731 = arith.constant 31 : i32
    %dma_start3A_732 = arith.constant 96 : i32
    %dma_start3A_733 = arith.constant 0 : i32
    %dma_start3A_734 = tpu.memref_slice %arg9[%dma_start3A_732, %dma_start3A_733] : memref<192x128xf32, #tpu.memory_space<vmem>> -> memref<96x128xf32, #tpu.memory_space<vmem>>
    %dma_start3A_735 = arith.constant 0 : i32
    %dma_start3A_736 = tpu.memref_slice %arg10[%dma_start3A_731, %dma_start3A_735] : memref<32x96xi32, #tpu.memory_space<vmem>> -> memref<1x96xi32, #tpu.memory_space<vmem>>
    %dma_start3A_737 = tpu.memref_squeeze %dma_start3A_736 : memref<1x96xi32, #tpu.memory_space<vmem>> -> memref<96xi32, #tpu.memory_space<vmem>>
    %dma_start3A_738 = arith.constant 0 : i32
    %dma_start3A_739 = arith.constant 0 : i32
    %dma_start3A_740 = tpu.memref_slice %arg15[%dma_start3A_738, %dma_start3A_739] : memref<512x128xf32, #tpu.memory_space<vmem_shared>> -> memref<512x128xf32, #tpu.memory_space<vmem_shared>>
    tpu.enqueue_indirect_dma source(%dma_start3A_734 : memref<96x128xf32, #tpu.memory_space<vmem>>) target(%dma_start3A_740 : memref<512x128xf32, #tpu.memory_space<vmem_shared>>) offsets(%dma_start3A_737 : memref<96xi32, #tpu.memory_space<vmem>>) semaphore(%arg23 : memref<!tpu.dma_semaphore, #tpu.memory_space<semaphore_mem>>) {add = true}
    %dma_wait3A_741 = arith.constant 24 : i32
    %dma_wait3A_742 = arith.constant 0 : i32
    %dma_wait3A_743 = arith.constant 0 : i32
    %dma_wait3A_744 = tpu.memref_slice %arg6[%dma_wait3A_742, %dma_wait3A_743] : memref<192x128xf32, #tpu.memory_space<vmem>> -> memref<96x128xf32, #tpu.memory_space<vmem>>
    %dma_wait3A_745 = arith.constant 0 : i32
    %dma_wait3A_746 = tpu.memref_slice %arg10[%dma_wait3A_741, %dma_wait3A_745] : memref<32x96xi32, #tpu.memory_space<vmem>> -> memref<1x96xi32, #tpu.memory_space<vmem>>
    %dma_wait3A_747 = tpu.memref_squeeze %dma_wait3A_746 : memref<1x96xi32, #tpu.memory_space<vmem>> -> memref<96xi32, #tpu.memory_space<vmem>>
    %dma_wait3A_748 = arith.constant 0 : i32
    %dma_wait3A_749 = arith.constant 0 : i32
    %dma_wait3A_750 = tpu.memref_slice %arg15[%dma_wait3A_748, %dma_wait3A_749] : memref<512x128xf32, #tpu.memory_space<vmem_shared>> -> memref<512x128xf32, #tpu.memory_space<vmem_shared>>
    tpu.wait_indirect_dma semaphore(%arg20 : memref<!tpu.dma_semaphore, #tpu.memory_space<semaphore_mem>>) src(%dma_wait3A_744 : memref<96x128xf32, #tpu.memory_space<vmem>>) dst(%dma_wait3A_750 : memref<512x128xf32, #tpu.memory_space<vmem_shared>>)
    %dma_wait3A_751 = arith.constant 25 : i32
    %dma_wait3A_752 = arith.constant 96 : i32
    %dma_wait3A_753 = arith.constant 0 : i32
    %dma_wait3A_754 = tpu.memref_slice %arg6[%dma_wait3A_752, %dma_wait3A_753] : memref<192x128xf32, #tpu.memory_space<vmem>> -> memref<96x128xf32, #tpu.memory_space<vmem>>
    %dma_wait3A_755 = arith.constant 0 : i32
    %dma_wait3A_756 = tpu.memref_slice %arg10[%dma_wait3A_751, %dma_wait3A_755] : memref<32x96xi32, #tpu.memory_space<vmem>> -> memref<1x96xi32, #tpu.memory_space<vmem>>
    %dma_wait3A_757 = tpu.memref_squeeze %dma_wait3A_756 : memref<1x96xi32, #tpu.memory_space<vmem>> -> memref<96xi32, #tpu.memory_space<vmem>>
    %dma_wait3A_758 = arith.constant 0 : i32
    %dma_wait3A_759 = arith.constant 0 : i32
    %dma_wait3A_760 = tpu.memref_slice %arg15[%dma_wait3A_758, %dma_wait3A_759] : memref<512x128xf32, #tpu.memory_space<vmem_shared>> -> memref<512x128xf32, #tpu.memory_space<vmem_shared>>
    tpu.wait_indirect_dma semaphore(%arg20 : memref<!tpu.dma_semaphore, #tpu.memory_space<semaphore_mem>>) src(%dma_wait3A_754 : memref<96x128xf32, #tpu.memory_space<vmem>>) dst(%dma_wait3A_760 : memref<512x128xf32, #tpu.memory_space<vmem_shared>>)
    %dma_wait3A_761 = arith.constant 26 : i32
    %dma_wait3A_762 = arith.constant 0 : i32
    %dma_wait3A_763 = arith.constant 0 : i32
    %dma_wait3A_764 = tpu.memref_slice %arg7[%dma_wait3A_762, %dma_wait3A_763] : memref<192x128xf32, #tpu.memory_space<vmem>> -> memref<96x128xf32, #tpu.memory_space<vmem>>
    %dma_wait3A_765 = arith.constant 0 : i32
    %dma_wait3A_766 = tpu.memref_slice %arg10[%dma_wait3A_761, %dma_wait3A_765] : memref<32x96xi32, #tpu.memory_space<vmem>> -> memref<1x96xi32, #tpu.memory_space<vmem>>
    %dma_wait3A_767 = tpu.memref_squeeze %dma_wait3A_766 : memref<1x96xi32, #tpu.memory_space<vmem>> -> memref<96xi32, #tpu.memory_space<vmem>>
    %dma_wait3A_768 = arith.constant 0 : i32
    %dma_wait3A_769 = arith.constant 0 : i32
    %dma_wait3A_770 = tpu.memref_slice %arg15[%dma_wait3A_768, %dma_wait3A_769] : memref<512x128xf32, #tpu.memory_space<vmem_shared>> -> memref<512x128xf32, #tpu.memory_space<vmem_shared>>
    tpu.wait_indirect_dma semaphore(%arg21 : memref<!tpu.dma_semaphore, #tpu.memory_space<semaphore_mem>>) src(%dma_wait3A_764 : memref<96x128xf32, #tpu.memory_space<vmem>>) dst(%dma_wait3A_770 : memref<512x128xf32, #tpu.memory_space<vmem_shared>>)
    %dma_wait3A_771 = arith.constant 27 : i32
    %dma_wait3A_772 = arith.constant 96 : i32
    %dma_wait3A_773 = arith.constant 0 : i32
    %dma_wait3A_774 = tpu.memref_slice %arg7[%dma_wait3A_772, %dma_wait3A_773] : memref<192x128xf32, #tpu.memory_space<vmem>> -> memref<96x128xf32, #tpu.memory_space<vmem>>
    %dma_wait3A_775 = arith.constant 0 : i32
    %dma_wait3A_776 = tpu.memref_slice %arg10[%dma_wait3A_771, %dma_wait3A_775] : memref<32x96xi32, #tpu.memory_space<vmem>> -> memref<1x96xi32, #tpu.memory_space<vmem>>
    %dma_wait3A_777 = tpu.memref_squeeze %dma_wait3A_776 : memref<1x96xi32, #tpu.memory_space<vmem>> -> memref<96xi32, #tpu.memory_space<vmem>>
    %dma_wait3A_778 = arith.constant 0 : i32
    %dma_wait3A_779 = arith.constant 0 : i32
    %dma_wait3A_780 = tpu.memref_slice %arg15[%dma_wait3A_778, %dma_wait3A_779] : memref<512x128xf32, #tpu.memory_space<vmem_shared>> -> memref<512x128xf32, #tpu.memory_space<vmem_shared>>
    tpu.wait_indirect_dma semaphore(%arg21 : memref<!tpu.dma_semaphore, #tpu.memory_space<semaphore_mem>>) src(%dma_wait3A_774 : memref<96x128xf32, #tpu.memory_space<vmem>>) dst(%dma_wait3A_780 : memref<512x128xf32, #tpu.memory_space<vmem_shared>>)
    %dma_wait3A_781 = arith.constant 28 : i32
    %dma_wait3A_782 = arith.constant 0 : i32
    %dma_wait3A_783 = arith.constant 0 : i32
    %dma_wait3A_784 = tpu.memref_slice %arg8[%dma_wait3A_782, %dma_wait3A_783] : memref<192x128xf32, #tpu.memory_space<vmem>> -> memref<96x128xf32, #tpu.memory_space<vmem>>
    %dma_wait3A_785 = arith.constant 0 : i32
    %dma_wait3A_786 = tpu.memref_slice %arg10[%dma_wait3A_781, %dma_wait3A_785] : memref<32x96xi32, #tpu.memory_space<vmem>> -> memref<1x96xi32, #tpu.memory_space<vmem>>
    %dma_wait3A_787 = tpu.memref_squeeze %dma_wait3A_786 : memref<1x96xi32, #tpu.memory_space<vmem>> -> memref<96xi32, #tpu.memory_space<vmem>>
    %dma_wait3A_788 = arith.constant 0 : i32
    %dma_wait3A_789 = arith.constant 0 : i32
    %dma_wait3A_790 = tpu.memref_slice %arg15[%dma_wait3A_788, %dma_wait3A_789] : memref<512x128xf32, #tpu.memory_space<vmem_shared>> -> memref<512x128xf32, #tpu.memory_space<vmem_shared>>
    tpu.wait_indirect_dma semaphore(%arg22 : memref<!tpu.dma_semaphore, #tpu.memory_space<semaphore_mem>>) src(%dma_wait3A_784 : memref<96x128xf32, #tpu.memory_space<vmem>>) dst(%dma_wait3A_790 : memref<512x128xf32, #tpu.memory_space<vmem_shared>>)
    %dma_wait3A_791 = arith.constant 29 : i32
    %dma_wait3A_792 = arith.constant 96 : i32
    %dma_wait3A_793 = arith.constant 0 : i32
    %dma_wait3A_794 = tpu.memref_slice %arg8[%dma_wait3A_792, %dma_wait3A_793] : memref<192x128xf32, #tpu.memory_space<vmem>> -> memref<96x128xf32, #tpu.memory_space<vmem>>
    %dma_wait3A_795 = arith.constant 0 : i32
    %dma_wait3A_796 = tpu.memref_slice %arg10[%dma_wait3A_791, %dma_wait3A_795] : memref<32x96xi32, #tpu.memory_space<vmem>> -> memref<1x96xi32, #tpu.memory_space<vmem>>
    %dma_wait3A_797 = tpu.memref_squeeze %dma_wait3A_796 : memref<1x96xi32, #tpu.memory_space<vmem>> -> memref<96xi32, #tpu.memory_space<vmem>>
    %dma_wait3A_798 = arith.constant 0 : i32
    %dma_wait3A_799 = arith.constant 0 : i32
    %dma_wait3A_800 = tpu.memref_slice %arg15[%dma_wait3A_798, %dma_wait3A_799] : memref<512x128xf32, #tpu.memory_space<vmem_shared>> -> memref<512x128xf32, #tpu.memory_space<vmem_shared>>
    tpu.wait_indirect_dma semaphore(%arg22 : memref<!tpu.dma_semaphore, #tpu.memory_space<semaphore_mem>>) src(%dma_wait3A_794 : memref<96x128xf32, #tpu.memory_space<vmem>>) dst(%dma_wait3A_800 : memref<512x128xf32, #tpu.memory_space<vmem_shared>>)
    %dma_wait3A_801 = arith.constant 30 : i32
    %dma_wait3A_802 = arith.constant 0 : i32
    %dma_wait3A_803 = arith.constant 0 : i32
    %dma_wait3A_804 = tpu.memref_slice %arg9[%dma_wait3A_802, %dma_wait3A_803] : memref<192x128xf32, #tpu.memory_space<vmem>> -> memref<96x128xf32, #tpu.memory_space<vmem>>
    %dma_wait3A_805 = arith.constant 0 : i32
    %dma_wait3A_806 = tpu.memref_slice %arg10[%dma_wait3A_801, %dma_wait3A_805] : memref<32x96xi32, #tpu.memory_space<vmem>> -> memref<1x96xi32, #tpu.memory_space<vmem>>
    %dma_wait3A_807 = tpu.memref_squeeze %dma_wait3A_806 : memref<1x96xi32, #tpu.memory_space<vmem>> -> memref<96xi32, #tpu.memory_space<vmem>>
    %dma_wait3A_808 = arith.constant 0 : i32
    %dma_wait3A_809 = arith.constant 0 : i32
    %dma_wait3A_810 = tpu.memref_slice %arg15[%dma_wait3A_808, %dma_wait3A_809] : memref<512x128xf32, #tpu.memory_space<vmem_shared>> -> memref<512x128xf32, #tpu.memory_space<vmem_shared>>
    tpu.wait_indirect_dma semaphore(%arg23 : memref<!tpu.dma_semaphore, #tpu.memory_space<semaphore_mem>>) src(%dma_wait3A_804 : memref<96x128xf32, #tpu.memory_space<vmem>>) dst(%dma_wait3A_810 : memref<512x128xf32, #tpu.memory_space<vmem_shared>>)
    %dma_wait3A_811 = arith.constant 31 : i32
    %dma_wait3A_812 = arith.constant 96 : i32
    %dma_wait3A_813 = arith.constant 0 : i32
    %dma_wait3A_814 = tpu.memref_slice %arg9[%dma_wait3A_812, %dma_wait3A_813] : memref<192x128xf32, #tpu.memory_space<vmem>> -> memref<96x128xf32, #tpu.memory_space<vmem>>
    %dma_wait3A_815 = arith.constant 0 : i32
    %dma_wait3A_816 = tpu.memref_slice %arg10[%dma_wait3A_811, %dma_wait3A_815] : memref<32x96xi32, #tpu.memory_space<vmem>> -> memref<1x96xi32, #tpu.memory_space<vmem>>
    %dma_wait3A_817 = tpu.memref_squeeze %dma_wait3A_816 : memref<1x96xi32, #tpu.memory_space<vmem>> -> memref<96xi32, #tpu.memory_space<vmem>>
    %dma_wait3A_818 = arith.constant 0 : i32
    %dma_wait3A_819 = arith.constant 0 : i32
    %dma_wait3A_820 = tpu.memref_slice %arg15[%dma_wait3A_818, %dma_wait3A_819] : memref<512x128xf32, #tpu.memory_space<vmem_shared>> -> memref<512x128xf32, #tpu.memory_space<vmem_shared>>
    tpu.wait_indirect_dma semaphore(%arg23 : memref<!tpu.dma_semaphore, #tpu.memory_space<semaphore_mem>>) src(%dma_wait3A_814 : memref<96x128xf32, #tpu.memory_space<vmem>>) dst(%dma_wait3A_820 : memref<512x128xf32, #tpu.memory_space<vmem_shared>>)
    %lt3A = arith.constant 17 : i32
    %lt3A_821 = arith.cmpi slt, %add3A, %lt3A : i32
    %convert_element_type3A = arith.extui %lt3A_821 : i1 to i32
    %cond3A = arith.constant 0 : i32
    %cond3A_822 = arith.cmpi ne, %convert_element_type3A, %cond3A : i32
    scf.if %cond3A_822 {
      %add3A_835 = arith.constant 1024 : i32
      %add3A_836 = arith.addi %add3A_835, %add3A : i32
      %mul3A_837 = arith.constant 96 : i32
      %mul3A_838 = arith.muli %add3A_836, %mul3A_837 : i32
      "tpu.region"() ({
        %run_scoped3A = tpu.sem_alloc : memref<!tpu.dma_semaphore, #tpu.memory_space<semaphore_mem>>
        %dma_start3A_839 = tpu.memref_slice %arg3[%mul3A_838] : memref<100000xi32, #tpu.memory_space<hbm>> -> memref<96xi32, #tpu.memory_space<hbm>>
        %dma_start3A_840 = tpu.memref_slice %arg3[%mul3A_838] : memref<100000xi32, #tpu.memory_space<hbm>> -> memref<96xi32, #tpu.memory_space<hbm>>
        tpu.enqueue_dma source(%dma_start3A_840 : memref<96xi32, #tpu.memory_space<hbm>>) target(%arg11 : memref<96xi32, #tpu.memory_space<vmem>>) target_semaphore(%run_scoped3A : memref<!tpu.dma_semaphore, #tpu.memory_space<semaphore_mem>>)
        %dma_wait3A_841 = tpu.memref_slice %arg3[%mul3A_838] : memref<100000xi32, #tpu.memory_space<hbm>> -> memref<96xi32, #tpu.memory_space<hbm>>
        %dma_wait3A_842 = tpu.memref_slice %arg3[%mul3A_838] : memref<100000xi32, #tpu.memory_space<hbm>> -> memref<96xi32, #tpu.memory_space<hbm>>
        tpu.wait_dma2 semaphore(%run_scoped3A : memref<!tpu.dma_semaphore, #tpu.memory_space<semaphore_mem>>) src(%dma_wait3A_842 : memref<96xi32, #tpu.memory_space<hbm>>) dst(%arg11 : memref<96xi32, #tpu.memory_space<vmem>>)
        tpu.yield
      }) : () -> ()
      "tpu.region"() ({
        %run_scoped3A = tpu.sem_alloc : memref<!tpu.dma_semaphore, #tpu.memory_space<semaphore_mem>>
        %dma_start3A_839 = arith.constant 0 : i32
        %dma_start3A_840 = arith.constant 0 : i32
        %dma_start3A_841 = tpu.memref_slice %arg6[%dma_start3A_839, %dma_start3A_840] : memref<192x128xf32, #tpu.memory_space<vmem>> -> memref<96x128xf32, #tpu.memory_space<vmem>>
        %dma_start3A_842 = arith.constant 0 : i32
        %dma_start3A_843 = tpu.memref_slice %arg2[%mul3A_838, %dma_start3A_842] : memref<100000x128xf32, #tpu.memory_space<hbm>> -> memref<96x128xf32, #tpu.memory_space<hbm>>
        %dma_start3A_844 = arith.constant 0 : i32
        %dma_start3A_845 = arith.constant 0 : i32
        %dma_start3A_846 = tpu.memref_slice %arg6[%dma_start3A_844, %dma_start3A_845] : memref<192x128xf32, #tpu.memory_space<vmem>> -> memref<96x128xf32, #tpu.memory_space<vmem>>
        %dma_start3A_847 = arith.constant 0 : i32
        %dma_start3A_848 = tpu.memref_slice %arg2[%mul3A_838, %dma_start3A_847] : memref<100000x128xf32, #tpu.memory_space<hbm>> -> memref<96x128xf32, #tpu.memory_space<hbm>>
        tpu.enqueue_dma source(%dma_start3A_848 : memref<96x128xf32, #tpu.memory_space<hbm>>) target(%dma_start3A_846 : memref<96x128xf32, #tpu.memory_space<vmem>>) target_semaphore(%run_scoped3A : memref<!tpu.dma_semaphore, #tpu.memory_space<semaphore_mem>>)
        %dma_wait3A_849 = arith.constant 0 : i32
        %dma_wait3A_850 = arith.constant 0 : i32
        %dma_wait3A_851 = tpu.memref_slice %arg6[%dma_wait3A_849, %dma_wait3A_850] : memref<192x128xf32, #tpu.memory_space<vmem>> -> memref<96x128xf32, #tpu.memory_space<vmem>>
        %dma_wait3A_852 = arith.constant 0 : i32
        %dma_wait3A_853 = tpu.memref_slice %arg2[%mul3A_838, %dma_wait3A_852] : memref<100000x128xf32, #tpu.memory_space<hbm>> -> memref<96x128xf32, #tpu.memory_space<hbm>>
        %dma_wait3A_854 = arith.constant 0 : i32
        %dma_wait3A_855 = arith.constant 0 : i32
        %dma_wait3A_856 = tpu.memref_slice %arg6[%dma_wait3A_854, %dma_wait3A_855] : memref<192x128xf32, #tpu.memory_space<vmem>> -> memref<96x128xf32, #tpu.memory_space<vmem>>
        %dma_wait3A_857 = arith.constant 0 : i32
        %dma_wait3A_858 = tpu.memref_slice %arg2[%mul3A_838, %dma_wait3A_857] : memref<100000x128xf32, #tpu.memory_space<hbm>> -> memref<96x128xf32, #tpu.memory_space<hbm>>
        tpu.wait_dma2 semaphore(%run_scoped3A : memref<!tpu.dma_semaphore, #tpu.memory_space<semaphore_mem>>) src(%dma_wait3A_858 : memref<96x128xf32, #tpu.memory_space<hbm>>) dst(%dma_wait3A_856 : memref<96x128xf32, #tpu.memory_space<vmem>>)
        tpu.yield
      }) : () -> ()
      "tpu.region"() ({
        %run_scoped3A = tpu.sem_alloc : memref<!tpu.dma_semaphore, #tpu.memory_space<semaphore_mem>>
        %dma_start3A_839 = arith.constant 0 : i32
        %dma_start3A_840 = arith.constant 0 : i32
        %dma_start3A_841 = tpu.memref_slice %arg6[%dma_start3A_839, %dma_start3A_840] : memref<192x128xf32, #tpu.memory_space<vmem>> -> memref<96x128xf32, #tpu.memory_space<vmem>>
        %dma_start3A_842 = arith.constant 0 : i32
        %dma_start3A_843 = arith.constant 0 : i32
        %dma_start3A_844 = tpu.memref_slice %arg15[%dma_start3A_842, %dma_start3A_843] : memref<512x128xf32, #tpu.memory_space<vmem_shared>> -> memref<512x128xf32, #tpu.memory_space<vmem_shared>>
        tpu.enqueue_indirect_dma source(%dma_start3A_841 : memref<96x128xf32, #tpu.memory_space<vmem>>) target(%dma_start3A_844 : memref<512x128xf32, #tpu.memory_space<vmem_shared>>) offsets(%arg11 : memref<96xi32, #tpu.memory_space<vmem>>) semaphore(%run_scoped3A : memref<!tpu.dma_semaphore, #tpu.memory_space<semaphore_mem>>) {add = true}
        %dma_wait3A_845 = arith.constant 0 : i32
        %dma_wait3A_846 = arith.constant 0 : i32
        %dma_wait3A_847 = tpu.memref_slice %arg6[%dma_wait3A_845, %dma_wait3A_846] : memref<192x128xf32, #tpu.memory_space<vmem>> -> memref<96x128xf32, #tpu.memory_space<vmem>>
        %dma_wait3A_848 = arith.constant 0 : i32
        %dma_wait3A_849 = arith.constant 0 : i32
        %dma_wait3A_850 = tpu.memref_slice %arg15[%dma_wait3A_848, %dma_wait3A_849] : memref<512x128xf32, #tpu.memory_space<vmem_shared>> -> memref<512x128xf32, #tpu.memory_space<vmem_shared>>
        tpu.wait_indirect_dma semaphore(%run_scoped3A : memref<!tpu.dma_semaphore, #tpu.memory_space<semaphore_mem>>) src(%dma_wait3A_847 : memref<96x128xf32, #tpu.memory_space<vmem>>) dst(%dma_wait3A_850 : memref<512x128xf32, #tpu.memory_space<vmem_shared>>)
        tpu.yield
      }) : () -> ()
    } else {
    }
    %eq3A = arith.constant 31 : i32
    %eq3A_823 = arith.cmpi eq, %add3A, %eq3A : i32
    %convert_element_type3A_824 = arith.extui %eq3A_823 : i1 to i32
    %cond3A_825 = arith.constant 0 : i32
    %cond3A_826 = arith.cmpi ne, %convert_element_type3A_824, %cond3A_825 : i32
    scf.if %cond3A_826 {
      "tpu.region"() ({
        %run_scoped3A = tpu.sem_alloc : memref<!tpu.dma_semaphore, #tpu.memory_space<semaphore_mem>>
        %dma_start3A_835 = arith.constant 99936 : i32
        %dma_start3A_836 = tpu.memref_slice %arg3[%dma_start3A_835] : memref<100000xi32, #tpu.memory_space<hbm>> -> memref<64xi32, #tpu.memory_space<hbm>>
        %dma_start3A_837 = arith.constant 99936 : i32
        %dma_start3A_838 = tpu.memref_slice %arg3[%dma_start3A_837] : memref<100000xi32, #tpu.memory_space<hbm>> -> memref<64xi32, #tpu.memory_space<hbm>>
        tpu.enqueue_dma source(%dma_start3A_838 : memref<64xi32, #tpu.memory_space<hbm>>) target(%arg12 : memref<64xi32, #tpu.memory_space<vmem>>) target_semaphore(%run_scoped3A : memref<!tpu.dma_semaphore, #tpu.memory_space<semaphore_mem>>)
        %dma_wait3A_839 = arith.constant 99936 : i32
        %dma_wait3A_840 = tpu.memref_slice %arg3[%dma_wait3A_839] : memref<100000xi32, #tpu.memory_space<hbm>> -> memref<64xi32, #tpu.memory_space<hbm>>
        %dma_wait3A_841 = arith.constant 99936 : i32
        %dma_wait3A_842 = tpu.memref_slice %arg3[%dma_wait3A_841] : memref<100000xi32, #tpu.memory_space<hbm>> -> memref<64xi32, #tpu.memory_space<hbm>>
        tpu.wait_dma2 semaphore(%run_scoped3A : memref<!tpu.dma_semaphore, #tpu.memory_space<semaphore_mem>>) src(%dma_wait3A_842 : memref<64xi32, #tpu.memory_space<hbm>>) dst(%arg12 : memref<64xi32, #tpu.memory_space<vmem>>)
        tpu.yield
      }) : () -> ()
      "tpu.region"() ({
        %run_scoped3A = tpu.sem_alloc : memref<!tpu.dma_semaphore, #tpu.memory_space<semaphore_mem>>
        %dma_start3A_835 = arith.constant 99936 : i32
        %dma_start3A_836 = arith.constant 0 : i32
        %dma_start3A_837 = tpu.memref_slice %arg2[%dma_start3A_835, %dma_start3A_836] : memref<100000x128xf32, #tpu.memory_space<hbm>> -> memref<64x128xf32, #tpu.memory_space<hbm>>
        %dma_start3A_838 = arith.constant 99936 : i32
        %dma_start3A_839 = arith.constant 0 : i32
        %dma_start3A_840 = tpu.memref_slice %arg2[%dma_start3A_838, %dma_start3A_839] : memref<100000x128xf32, #tpu.memory_space<hbm>> -> memref<64x128xf32, #tpu.memory_space<hbm>>
        tpu.enqueue_dma source(%dma_start3A_840 : memref<64x128xf32, #tpu.memory_space<hbm>>) target(%arg13 : memref<64x128xf32, #tpu.memory_space<vmem>>) target_semaphore(%run_scoped3A : memref<!tpu.dma_semaphore, #tpu.memory_space<semaphore_mem>>)
        %dma_wait3A_841 = arith.constant 99936 : i32
        %dma_wait3A_842 = arith.constant 0 : i32
        %dma_wait3A_843 = tpu.memref_slice %arg2[%dma_wait3A_841, %dma_wait3A_842] : memref<100000x128xf32, #tpu.memory_space<hbm>> -> memref<64x128xf32, #tpu.memory_space<hbm>>
        %dma_wait3A_844 = arith.constant 99936 : i32
        %dma_wait3A_845 = arith.constant 0 : i32
        %dma_wait3A_846 = tpu.memref_slice %arg2[%dma_wait3A_844, %dma_wait3A_845] : memref<100000x128xf32, #tpu.memory_space<hbm>> -> memref<64x128xf32, #tpu.memory_space<hbm>>
        tpu.wait_dma2 semaphore(%run_scoped3A : memref<!tpu.dma_semaphore, #tpu.memory_space<semaphore_mem>>) src(%dma_wait3A_846 : memref<64x128xf32, #tpu.memory_space<hbm>>) dst(%arg13 : memref<64x128xf32, #tpu.memory_space<vmem>>)
        tpu.yield
      }) : () -> ()
      "tpu.region"() ({
        %run_scoped3A = tpu.sem_alloc : memref<!tpu.dma_semaphore, #tpu.memory_space<semaphore_mem>>
        %dma_start3A_835 = arith.constant 0 : i32
        %dma_start3A_836 = arith.constant 0 : i32
        %dma_start3A_837 = tpu.memref_slice %arg15[%dma_start3A_835, %dma_start3A_836] : memref<512x128xf32, #tpu.memory_space<vmem_shared>> -> memref<512x128xf32, #tpu.memory_space<vmem_shared>>
        tpu.enqueue_indirect_dma source(%arg13 : memref<64x128xf32, #tpu.memory_space<vmem>>) target(%dma_start3A_837 : memref<512x128xf32, #tpu.memory_space<vmem_shared>>) offsets(%arg12 : memref<64xi32, #tpu.memory_space<vmem>>) semaphore(%run_scoped3A : memref<!tpu.dma_semaphore, #tpu.memory_space<semaphore_mem>>) {add = true}
        %dma_wait3A_838 = arith.constant 0 : i32
        %dma_wait3A_839 = arith.constant 0 : i32
        %dma_wait3A_840 = tpu.memref_slice %arg15[%dma_wait3A_838, %dma_wait3A_839] : memref<512x128xf32, #tpu.memory_space<vmem_shared>> -> memref<512x128xf32, #tpu.memory_space<vmem_shared>>
        tpu.wait_indirect_dma semaphore(%run_scoped3A : memref<!tpu.dma_semaphore, #tpu.memory_space<semaphore_mem>>) src(%arg13 : memref<64x128xf32, #tpu.memory_space<vmem>>) dst(%dma_wait3A_840 : memref<512x128xf32, #tpu.memory_space<vmem_shared>>)
        tpu.yield
      }) : () -> ()
    } else {
    }
    %barrier3A_827 = arith.constant 0 : index
    tpu.barrier barrier_id(%barrier3A_827)
    %mul3A_828 = arith.constant 32 : i32
    %mul3A_829 = arith.muli %arg1, %mul3A_828 : i32
    %mul3A_830 = arith.constant 512 : i32
    %mul3A_831 = arith.muli %arg0, %mul3A_830 : i32
    %mul3A_832 = arith.constant 32 : i32
    %mul3A_833 = arith.muli %arg1, %mul3A_832 : i32
    %add3A_834 = arith.addi %mul3A_831, %mul3A_833 : i32
    "tpu.region"() ({
      %run_scoped3A = tpu.sem_alloc : memref<!tpu.dma_semaphore, #tpu.memory_space<semaphore_mem>>
      %dma_start3A_835 = arith.constant 0 : i32
      %dma_start3A_836 = tpu.memref_slice %arg5[%add3A_834, %dma_start3A_835] : memref<1024x128xf32, #tpu.memory_space<hbm>> -> memref<32x128xf32, #tpu.memory_space<hbm>>
      %dma_start3A_837 = arith.constant 0 : i32
      %dma_start3A_838 = tpu.memref_slice %arg15[%mul3A_829, %dma_start3A_837] : memref<512x128xf32, #tpu.memory_space<vmem_shared>> -> memref<32x128xf32, #tpu.memory_space<vmem_shared>>
      tpu.enqueue_dma source(%dma_start3A_838 : memref<32x128xf32, #tpu.memory_space<vmem_shared>>) target(%dma_start3A_836 : memref<32x128xf32, #tpu.memory_space<hbm>>) target_semaphore(%run_scoped3A : memref<!tpu.dma_semaphore, #tpu.memory_space<semaphore_mem>>)
      %dma_wait3A_839 = arith.constant 0 : i32
      %dma_wait3A_840 = tpu.memref_slice %arg5[%add3A_834, %dma_wait3A_839] : memref<1024x128xf32, #tpu.memory_space<hbm>> -> memref<32x128xf32, #tpu.memory_space<hbm>>
      %dma_wait3A_841 = arith.constant 0 : i32
      %dma_wait3A_842 = tpu.memref_slice %arg15[%mul3A_829, %dma_wait3A_841] : memref<512x128xf32, #tpu.memory_space<vmem_shared>> -> memref<32x128xf32, #tpu.memory_space<vmem_shared>>
      tpu.wait_dma2 semaphore(%run_scoped3A : memref<!tpu.dma_semaphore, #tpu.memory_space<semaphore_mem>>) src(%dma_wait3A_842 : memref<32x128xf32, #tpu.memory_space<vmem_shared>>) dst(%dma_wait3A_840 : memref<32x128xf32, #tpu.memory_space<hbm>>)
      tpu.yield
    }) : () -> ()
    return
  }
}

module attributes {stable_mosaic.version = 14 : i64} {
  func.func @_mlp_body(%arg0: memref<1024x128xf32, #tpu.memory_space<vmem>>, %arg1: memref<512x128xf32, #tpu.memory_space<vmem>>, %arg2: memref<256x128xf32, #tpu.memory_space<vmem>>, %arg3: memref<1x128xf32, #tpu.memory_space<vmem>>, %arg4: memref<128x128xf32, #tpu.memory_space<vmem>>, %arg5: memref<1x128xf32, #tpu.memory_space<vmem>>, %arg6: memref<512x128xf32, #tpu.memory_space<vmem>>) attributes {dimension_semantics = [], scalar_prefetch = 0 : i64, scratch_operands = 0 : i64, tpu.core_type = #tpu.core_type<tc>} {
    %get3A = arith.constant 0 : index
    %get3A_0 = arith.constant 0 : index
    %get3A_1 = vector.load %arg0[%get3A, %get3A_0] : memref<1024x128xf32, #tpu.memory_space<vmem>>, vector<512x128xf32>
    %get3A_2 = arith.constant 512 : index
    %get3A_3 = arith.constant 0 : index
    %get3A_4 = vector.load %arg0[%get3A_2, %get3A_3] : memref<1024x128xf32, #tpu.memory_space<vmem>>, vector<512x128xf32>
    %add3A = arith.addf %get3A_1, %get3A_4 : vector<512x128xf32>
    %get3A_5 = arith.constant 0 : index
    %get3A_6 = arith.constant 0 : index
    %get3A_7 = vector.load %arg1[%get3A_5, %get3A_6] : memref<512x128xf32, #tpu.memory_space<vmem>>, vector<512x128xf32>
    %get3A_8 = arith.constant 0 : index
    %get3A_9 = arith.constant 0 : index
    %get3A_10 = vector.load %arg2[%get3A_8, %get3A_9] : memref<256x128xf32, #tpu.memory_space<vmem>>, vector<128x128xf32>
    %dot_general3A = arith.constant dense<0.000000e+00> : vector<512x128xf32>
    %dot_general3A_11 = tpu.matmul %get3A_7, %get3A_10, %dot_general3A {dimension_numbers = #tpu.dot_dimension_numbers<[1], [0], [0], [1], [0, 0, 1, 1], [], []>, transpose_lhs_hint = false} : vector<512x128xf32>, vector<128x128xf32>, vector<512x128xf32> -> vector<512x128xf32>
    %get3A_12 = arith.constant 128 : index
    %get3A_13 = arith.constant 0 : index
    %get3A_14 = vector.load %arg2[%get3A_12, %get3A_13] : memref<256x128xf32, #tpu.memory_space<vmem>>, vector<128x128xf32>
    %dot_general3A_15 = arith.constant dense<0.000000e+00> : vector<512x128xf32>
    %dot_general3A_16 = tpu.matmul %add3A, %get3A_14, %dot_general3A_15 {dimension_numbers = #tpu.dot_dimension_numbers<[1], [0], [0], [1], [0, 0, 1, 1], [], []>, transpose_lhs_hint = false} : vector<512x128xf32>, vector<128x128xf32>, vector<512x128xf32> -> vector<512x128xf32>
    %add3A_17 = arith.addf %dot_general3A_11, %dot_general3A_16 : vector<512x128xf32>
    %get3A_18 = arith.constant 0 : index
    %get3A_19 = arith.constant 0 : index
    %get3A_20 = vector.load %arg3[%get3A_18, %get3A_19] : memref<1x128xf32, #tpu.memory_space<vmem>>, vector<1x128xf32>
    %add3A_21 = vector.broadcast %get3A_20 : vector<1x128xf32> to vector<512x128xf32>
    %add3A_22 = arith.addf %add3A_17, %add3A_21 : vector<512x128xf32>
    %max3A = arith.constant 0.000000e+00 : f32
    %max3A_23 = vector.broadcast %max3A : f32 to vector<512x128xf32>
    %max3A_24 = arith.maximumf %add3A_22, %max3A_23 : vector<512x128xf32>
    %get3A_25 = arith.constant 0 : index
    %get3A_26 = arith.constant 0 : index
    %get3A_27 = vector.load %arg4[%get3A_25, %get3A_26] : memref<128x128xf32, #tpu.memory_space<vmem>>, vector<128x128xf32>
    %dot_general3A_28 = arith.constant dense<0.000000e+00> : vector<512x128xf32>
    %dot_general3A_29 = tpu.matmul %max3A_24, %get3A_27, %dot_general3A_28 {dimension_numbers = #tpu.dot_dimension_numbers<[1], [0], [0], [1], [0, 0, 1, 1], [], []>, transpose_lhs_hint = false} : vector<512x128xf32>, vector<128x128xf32>, vector<512x128xf32> -> vector<512x128xf32>
    %get3A_30 = arith.constant 0 : index
    %get3A_31 = arith.constant 0 : index
    %get3A_32 = vector.load %arg5[%get3A_30, %get3A_31] : memref<1x128xf32, #tpu.memory_space<vmem>>, vector<1x128xf32>
    %add3A_33 = vector.broadcast %get3A_32 : vector<1x128xf32> to vector<512x128xf32>
    %add3A_34 = arith.addf %dot_general3A_29, %add3A_33 : vector<512x128xf32>
    %max3A_35 = arith.constant 0.000000e+00 : f32
    %max3A_36 = vector.broadcast %max3A_35 : f32 to vector<512x128xf32>
    %max3A_37 = arith.maximumf %add3A_34, %max3A_36 : vector<512x128xf32>
    %swap3A = arith.constant 0 : index
    %swap3A_38 = arith.constant 0 : index
    %swap3A_39 = vector.load %arg6[%swap3A, %swap3A_38] : memref<512x128xf32, #tpu.memory_space<vmem>>, vector<512x128xf32>
    tpu.vector_store %arg6[%swap3A, %swap3A_38], %max3A_37 {strides = array<i32>} : memref<512x128xf32, #tpu.memory_space<vmem>>, vector<512x128xf32>,
    return
  }
}

</mosaic_0001>

<sc_bundles>
// kernel: kernel.4.cloned.1.call-start
scs
__scs_entry_jumppad:
0x0: {  	(pc) =	sbr.rel $0x88, $3  }
0x1: {  	(tag) =	ssettag $0x0;
	lr =	simm.s32 $0x1  }
0x2: {  	[smem:$0x3F9A] =	sst lr;
	_ =	strace $0xD0000000  }
0x3: {  	_ = 	snop  }
0x4: {  	_ = 	snop  }
0x5: {  	_ = 	snop  }
0x6: {  	_ = 	snop  }
0x7: {  	_ = 	snop  }
__scs_overlays_trampoline_lowered:
0x8: {  	[smem:$0x3FA9] =	sst s0  }
0x9: {  	[smem:$0x3FAA] =	sst s1  }
0xa: {  	[smem:$0x3FAB] =	sst s2  }
0xb: {  	[smem:$0x3FAC] =	sst s3  }
0xc: {  	[smem:$0x3FAD] =	sst s4  }
0xd: {  	[smem:$0x3FAE] =	sst s5  }
0xe: {  	[smem:$0x3FAF] =	sst s6  }
0xf: {  	[smem:$0x3FB0] =	sst s7  }
0x10: {  	[smem:$0x3FB1] =	sst s8  }
0x11: {  	[smem:$0x3FB2] =	sst s9;
	s0 =	simm.s32 @!p0 $0x0  }
0x12: {  	s1 =	sld [smem:$0x3F98];
	s0 =	simm.s32 @p0 $0x1  }
0x13: {  	[smem:$0x3FB3] =	sst s0;
	s0 =	simm.s32 @!p1 $0x0  }
0x14: {  	s2 =	sld [smem:$0x3F97];
	s0 =	simm.s32 @p1 $0x1  }
0x15: {  	[smem:$0x3FB4] =	sst s0;
	s0 =	simm.s32 @!p2 $0x0  }
0x16: {  	s3 =	sld [smem:$0x3FDB];
	s0 =	simm.s32 @p2 $0x1  }
0x17: {  	s4 =	simm.s32 $0x1BF5;
	[smem:$0x3FB6] =	sst s0  }
0x18: {  	s0 =	sld [smem:$0x3F99];
	_ =	swait.ge [sflag:s4], $0x0  }
0x19: {  	s7 =	sld [smem:$0x3F9A]  }
0x1a: {  	s8 =	sadd.s32 $0xFFFFE003, lr  }
0x1b: {  	s9 =	sadd.s32 $0xFFFFFEF7, lr;
	s5 =	simm.s32 $0xFFFFFFFF;
	p2 =	slt.u32 s8, $0xFFFFF086  }
0x1c: {  	p1 =	slt.u32 s9, $0xF7A;
	s5 =	simm.s32 @!p2 $0x0  }
0x1d: {  	s5 =	simm.s32 @p1 $0x1;
	p0 =	seq.s32 s7, s2  }
0x1e: {  	s7 =	smul.u32 @!p0 $0xF7A, s2;
	p2 =	seq.s32 @!p0 s5, $0x0  }
0x1f: {  	s9 =	smul.u32 $0xF7A, s1;
	s8 =	simm.s32 @!p0 $0x1BF5;
	p2 =	por !p2, p0  }
0x20: {  	[sflag:s8] =	ssyncset.s32 @!p0 $0xFFFFF086;
	s6 =	sadd.s32 @!p0 s3, s7;
	s7 =	simm.s32 @!p0 $0x108  }
0x21: {  	s3 =	sadd.s32 s3, s9;
	s6 =	sadd.s32 @!p0 $0x88, s6;
	s7 =	simm.s32 @p2 $0x1082  }
0x22: {  	[simem:s7], [sflag:s8] =	dma.local @!p0 [hbm:s6], $0xF7A  }
0x23: {  	s9 =	sor.u32 $0xD0000000, s2;
	s6 =	simm.s32 $0x108;
	_ =	swait.ge @!p0 [sflag:s8], $0x0  }
0x24: {  	s3 =	sadd.s32 $0x88, s3;
	s6 =	simm.s32 @!p1 $0x1082;
	[sflag:s4] =	ssyncset.s32 $0xFFFFF086  }
0x25: {  	[simem:s6], [sflag:s4] =	dma.local [hbm:s3], $0xF7A  }
0x26: {  	[smem:$0x3F9A] =	sst s1;
	(tag) =	ssettag s2;
	_ =	strace s9  }
0x27: {  	s1 =	sld [smem:$0x3FAA]  }
0x28: {  	s2 =	sld [smem:$0x3FAB]  }
0x29: {  	s4 =	sld [smem:$0x3FAD]  }
0x2a: {  	p0 =	seq.s32 s5, $0x0;
	s5 =	sld [smem:$0x3FAE]  }
0x2b: {  	s6 =	sld [smem:$0x3FAF]  }
0x2c: {  	s7 =	sld [smem:$0x3FB0]  }
0x2d: {  	s3 =	simm.s32 $0x108;
	s8 =	sld [smem:$0x3FB1]  }
0x2e: {  	s3 =	simm.s32 @!p0 $0x1082;
	s9 =	sld [smem:$0x3FB2]  }
0x2f: {  	lr =	sadd.s32 s0, s3;
	s0 =	sld [smem:$0x3FA9]  }
0x30: {  	s3 =	sld [smem:$0x3FAC]  }
0x31: {  	[smem:$0x3FB5] =	sst s10  }
0x32: {  	s10 =	sld [smem:$0x3FB3];
	_ =	sdelay $0x3  }
0x33: {  	p0 =	seq.s32 s10, $0x1;
	s10 =	sld [smem:$0x3FB5];
	_ =	sdelay $0x3  }
0x34: {  	[smem:$0x3FB5] =	sst s10  }
0x35: {  	s10 =	sld [smem:$0x3FB4];
	_ =	sdelay $0x3  }
0x36: {  	p1 =	seq.s32 s10, $0x1;
	s10 =	sld [smem:$0x3FB5];
	_ =	sdelay $0x3  }
0x37: {  	[smem:$0x3FB5] =	sst s10  }
0x38: {  	s10 =	sld [smem:$0x3FB6]  }
0x39: {  	_ = 	snop;
	(pc) =	sbr.ind lr, $3  }
0x3a: {  	_ = 	snop  }
0x3b: {  	_ = 	snop  }
0x3c: {  	p2 =	seq.s32 s10, $0x1;
	s10 =	sld [smem:$0x3FB5]  }
0x3d: {  	_ =	shalt  }
0x3e: {  	_ =	shalt  }
0x3f: {  	_ =	shalt  }
0x40: {  	_ =	shalt  }
0x41: {  	_ =	shalt  }
0x42: {  	_ =	shalt  }
0x43: {  	_ =	shalt  }
0x44: {  	_ =	shalt  }
0x45: {  	_ =	shalt  }
0x46: {  	_ =	shalt  }
0x47: {  	_ =	shalt  }
0x48: {  	_ =	shalt  }
0x49: {  	_ =	shalt  }
0x4a: {  	_ =	shalt  }
0x4b: {  	_ =	shalt  }
0x4c: {  	_ =	shalt  }
0x4d: {  	_ =	shalt  }
0x4e: {  	_ =	shalt  }
0x4f: {  	_ =	shalt  }
0x50: {  	_ =	shalt  }
0x51: {  	_ =	shalt  }
0x52: {  	_ =	shalt  }
0x53: {  	_ =	shalt  }
0x54: {  	_ =	shalt  }
0x55: {  	_ =	shalt  }
0x56: {  	_ =	shalt  }
0x57: {  	_ =	shalt  }
0x58: {  	_ =	shalt  }
0x59: {  	_ =	shalt  }
0x5a: {  	_ =	shalt  }
0x5b: {  	_ =	shalt  }
0x5c: {  	_ =	shalt  }
0x5d: {  	_ =	shalt  }
0x5e: {  	_ =	shalt  }
0x5f: {  	_ =	shalt  }
0x60: {  	_ =	shalt  }
0x61: {  	_ =	shalt  }
0x62: {  	_ =	shalt  }
0x63: {  	_ =	shalt  }
0x64: {  	_ =	shalt  }
0x65: {  	_ =	shalt  }
0x66: {  	_ =	shalt  }
0x67: {  	_ =	shalt  }
0x68: {  	_ =	shalt  }
0x69: {  	_ =	shalt  }
0x6a: {  	_ =	shalt  }
0x6b: {  	_ =	shalt  }
0x6c: {  	_ =	shalt  }
0x6d: {  	_ =	shalt  }
0x6e: {  	_ =	shalt  }
0x6f: {  	_ =	shalt  }
0x70: {  	_ =	shalt  }
0x71: {  	_ =	shalt  }
0x72: {  	_ =	shalt  }
0x73: {  	_ =	shalt  }
0x74: {  	_ =	shalt  }
0x75: {  	_ =	shalt  }
0x76: {  	_ =	shalt  }
0x77: {  	_ =	shalt  }
0x78: {  	_ =	shalt  }
0x79: {  	_ =	shalt  }
0x7a: {  	_ =	shalt  }
0x7b: {  	_ =	shalt  }
0x7c: {  	_ =	shalt  }
0x7d: {  	_ =	shalt  }
0x7e: {  	_ =	shalt  }
0x7f: {  	_ =	shalt  }
0x80: {  	_ =	shalt  }
0x81: {  	_ =	shalt  }
0x82: {  	_ =	shalt  }
0x83: {  	_ =	shalt  }
0x84: {  	_ =	shalt  }
0x85: {  	_ =	shalt  }
0x86: {  	_ =	shalt  }
0x87: {  	_ =	shalt  }
.Lfunc_end0:
.L_simem_size_0:
called_computation_lowered:
.L_overlay_start_0:
0x88: {  	s2 =	sld [smem:$0x3FD9]  }
0x89: {  	s3 =	sld [smem:$0x3FFE];
	_ =	sdelay $0x1  }
0x8a: {  	s1 =	srdreg.scid  }
0x8b: {  	s0 =	sand.u32 $0x1, s1  }
0x8c: {  	s17 =	sshll.u32 s0, $0xA;
	s2 =	sadd.s32 s3, s2  }
0x8d: {  	s2 =	sadd.s32 s2, s17  }
0x8e: {  	[smem:$0x3FC1] =	sst s2  }
0x8f: {  	_ = 	snop  }
0x90: {  	s2 =	sld [smem:$0x3FC9]  }
0x91: {  	s18 =	sld [smem:$0x3FC7];
	(tm) =	ssettm $0x1  }
0x92: {  	s4 =	sld [smem:$0x3FFB];
	_ =	sdelay $0x3  }
0x93: {  	_ =	strace s4  }
0x94: {  	s4 =	sld [smem:$0x3FFC];
	_ =	sdelay $0x3  }
0x95: {  	_ =	strace s4  }
0x96: {  	s4 =	sld [smem:$0x3FFD];
	_ =	sdelay $0x3  }
0x97: {  	_ =	strace s4  }
0x98: {  	_ =	strace $0x8FFFFFFF  }
0x99: {  	s19 =	sld [smem:$0x3FDB];
	_ =	sdelay $0x1  }
0x9a: {  	s5 =	simm.s32 $_scs_section_size  }
0x9b: {  	s6 =	simm.s32 $_size__tile_overlayer_lowered;
	s7 =	simm.s32 $_tile_overlayer_lowered  }
0x9c: {  	s22 =	simm.s32 $0x1BFF;
	s21 =	sshll.u32 s7, $0x1;
	s4 =	sadd.s32 s5, s19  }
0x9d: {  	s8 =	simm.s32 $0x0;
	s20 =	sshll.u32 s6, $0x1;
	s6 =	sadd.s32 s21, s4  }
0x9e: {  	[timem:s8], [sflag:s22] =	dma.local [hbm:s6], s20  }
0x9f: {  	_ =	swait.ge [sflag:s22], s20  }
0xa0: {  	s5 =	ssub.s32 $0x0, s20;
	[sflag:s22] =	ssyncset.done $0x0  }
0xa1: {  	[sflag:s22] =	ssyncadd.s32 s5;
	_ =	sdelay $0x1  }
0xa2: {  	s23 =	simm.s32 $0x1B8B  }
0xa3: {  	_ =	swait.ge [sflag:s23], $0x1  }
0xa4: {  	[sflag:s23] =	ssyncset.done $0x0  }
0xa5: {  	s25 =	simm.s32 $0x1B8E;
	s24 =	sld [smem:$0x3FFE];
	[sflag:s23] =	ssyncadd.s32 $0xFFFFFFFF  }
0xa6: {  	s26 =	simm.s32 $execute0_lowered;
	[smem:$0x3FD2] =	sst s25  }
0xa7: {  	s6 =	sshll.u32 s26, $0x1;
	_ =	strace $0x80000046;
	[dreg:$0x1] =	wrdreg $0xFFFFFFFF  }
0xa8: {  	s28 =	simm.s32 $_size_execute0_lowered;
	s4 =	sadd.s32 s4, s6;
	[dreg:$0x0] =	wrdreg $0x0  }
0xa9: {  	s6 =	sshll.u32 s28, $0x1;
	[dreg:$0x2] =	wrdreg s4  }
0xaa: {  	[dreg:$0x3] =	wrdreg s6  }
0xab: {  	[dreg:$0x4] =	wrdreg $0xC0  }
0xac: {  	_ =	task [dreg:s8], $0x5FFFF  }
0xad: {  	[dreg:$0x1] =	wrdreg $0xFFFFFFFF  }
0xae: {  	[dreg:$0x0] =	wrdreg $0x60  }
0xaf: {  	[dreg:$0x2] =	wrdreg s2  }
0xb0: {  	[dreg:$0x3] =	wrdreg s18  }
0xb1: {  	[dreg:$0x4] =	wrdreg s24  }
0xb2: {  	[dreg:$0x5] =	wrdreg $0x1C1000  }
0xb3: {  	[dreg:$0x6] =	wrdreg $0x9  }
0xb4: {  	_ =	task.clear_ibuf [dreg:s8], $0x7FFFF;
	_ =	strace $0x90000046  }
0xb5: {  	s29 =	simm.s32 $0x9;
	_ =	strace $0x80000048  }
0xb6: {  	_ =	swait.ge [sflag:s29], $0x1  }
0xb7: {  	[sflag:s29] =	ssyncadd.s32 $0xFFFFFFFF  }
0xb8: {  	_ =	strace $0x90000048  }
0xb9: {  	_ =	sfence  }
0xba: {  	s30 =	sld [smem:$0x0];
	_ =	sdelay $0x2  }
0xbb: {  	s31 =	sshll.u32 s1, $0xD;
	s1 =	sshrl.u32 s1, $0x2  }
0xbc: {  	s3 =	sand.u32 $0x4000, s31;
	s1 =	sadd.s32 s1, s30  }
0xbd: {  	s0 =	sor.u32 s3, s0;
	s1 =	sshll.u32 s1, $0x11  }
0xbe: {  	s0 =	sor.u32 s1, s0  }
0xbf: {  	s0 =	sadd.s32 $0x8F2B, s0  }
0xc0: {  	[sflag:s0] =	ssyncadd.remote.s32 $0x1  }
0xc1: {  	_ =	sfence.sel $0xFFFF  }
0xc2: {  	[dreg:$0x0] =	wrdreg $0xFFFFFFFF;
	(pc) =	sbr.abs _section_cstart, $3  }
0xc3: {  	[dreg:$0x1] =	wrdreg $0xFFFFFFFF  }
0xc4: {  	_ =	task.clear_ibuf [dreg:s8], $0x2FFFF;
	_ =	strace $0x9FFFFFFF  }
0xc5: {  	(tm) =	ssettm $0x7FFFFFFF  }
tec
execute0_lowered:
.L_overlay_start_1:
0x0: {  	(tag) =	ssettag $0x1  }
0x1: {  	s0 =	rddreg [dreg:$0x0]  }
0x2: {  	s1 =	rddreg [dreg:$0x1]  }
0x3: {  	s2 =	srdreg.scid;
	s4 =	rddreg [dreg:$0x2]  }
0x4: {  	s12 =	stileid.u32;
	s3 =	simm.s32 $0x0;
	s6 =	sand.u32 $0x1, s2  }
0x5: {  	s30 =	simm.s32 $0x6000;
	s2 =	rddreg [dreg:$0x3];
	s5 =	sshll.u32 s6, $0x4  }
0x6: {  	s31 =	simm.s32 $0x60;
	[smem:$0x7FF] =	sst s3;
	s8 =	sor.u32 s12, s5  }
0x7: {  	s9 =	sshll.u32 s12, $0x9;
	s29 =	sshll.u32 s12, $0xC;
	s5 =	sshll.u32 s8, $0x9  }
0x8: {  	s7 =	ssub.s32 $0x2, s6;
	s11 =	smul.u32 $0xC000, s8;
	s5 =	sadd.s32 s5, s4  }
0x9: {  	_ =	strace $0x80000047;
	s10 =	sshrl.u32 s7, $0x1;
	s5 =	sadd.s32 $0x1000, s5  }
0xa: {  	s26 =	smul.u32 $0x60000, s8;
	[dreg:$0x5] =	wrdreg s5;
	s5 =	sadd.s32 s0, s11  }
0xb: {  	s4 =	sadd.s32 s9, s4;
	s9 =	ssub.s32 s7, s10;
	s11 =	sadd.s32 $0xC00, s5  }
0xc: {  	s10 =	sshrl.u32 s26, $0x3;
	s12 =	sadd.s32 $0x1800, s5;
	[dreg:$0x6] =	wrdreg s11  }
0xd: {  	s10 =	sadd.s32 s0, s10;
	s13 =	sadd.s32 $0x2400, s5;
	[dreg:$0x7] =	wrdreg s12  }
0xe: {  	s6 =	sshll.u32 s6, $0xD;
	s14 =	sadd.s32 $0x4800, s10;
	[dreg:$0x8] =	wrdreg s13  }
0xf: {  	s21 =	smul.u32 $0x60, s8;
	s15 =	sadd.s32 $0x5400, s10;
	[dreg:$0x9] =	wrdreg s14  }
0x10: {  	p0 =	sgt.u32 s8, $0x10;
	s16 =	sadd.s32 $0x6000, s10;
	[dreg:$0xa] =	wrdreg s15  }
0x11: {  	s7 =	sadd.s32 s29, s2;
	s17 =	sadd.s32 $0x6C00, s10;
	[dreg:$0xb] =	wrdreg s16  }
0x12: {  	p1 =	sne.s32 @p0 s8, $0x1F;
	s18 =	sadd.s32 $0x7800, s10;
	[dreg:$0xc] =	wrdreg s17  }
0x13: {  	s4 =	sadd.s32 s6, s4;
	s19 =	sadd.s32 $0x8400, s10;
	[dreg:$0xd] =	wrdreg s18  }
0x14: {  	s25 =	sor.u32 $0x18000, s21;
	s20 =	sadd.s32 $0x9000, s10;
	[dreg:$0xe] =	wrdreg s19  }
0x15: {  	p1 =	por p1, !p0;
	s22 =	sadd.s32 $0x9C00, s10;
	[dreg:$0xf] =	wrdreg s20  }
0x16: {  	s26 =	sshrl.u32 s25, $0x3;
	s23 =	sadd.s32 $0xA800, s10;
	[dreg:$0x10] =	wrdreg s22  }
0x17: {  	s6 =	sshll.u32 s25, $0x4;
	s24 =	sadd.s32 $0xB400, s10;
	[dreg:$0x11] =	wrdreg s23  }
0x18: {  	s25 =	smax.u32 s9, $0x1;
	s8 =	sadd.s32 s1, s26;
	[dreg:$0x12] =	wrdreg s24  }
0x19: {  	s9 =	simm.s32 $0x9000;
	s1 =	sadd.s32 $0x30CC, s1;
	[dreg:$0x13] =	wrdreg s8  }
0x1a: {  	s29 =	sadd.s32 s0, s6;
	s0 =	sadd.s32 $0x186600, s0;
	[dreg:$0x14] =	wrdreg s1  }
0x1b: {  	s26 =	sadd.s32 $0x3000, s5;
	s28 =	sadd.s32 $0x3C00, s5;
	[dreg:$0x15] =	wrdreg s29  }
0x1c: {  	s6 =	simm.s32 $0xC000;
	s10 =	simm.s32 $0x12000;
	[dreg:$0x16] =	wrdreg s0  }
0x1d: {  	s24 =	sadd.s32 $0x5200, s4;
	s22 =	simm.s32 $0x18000;
	s0 =	simm.s32 $0x9  }
0x1e: {  	s1 =	simm.s32 $0x1;
	s4 =	simm.s32 $0x3000;
	s8 =	simm.s32 $0x2  }
0x1f: {  	s11 =	simm.s32 $0x3;
	s12 =	simm.s32 $0xF000;
	s13 =	simm.s32 $0x5  }
0x20: {  	s14 =	simm.s32 $0x4;
	s15 =	simm.s32 $0x15000;
	s16 =	simm.s32 $0x6  }
0x21: {  	v0 =	vimm.f32 $0.0e+00;
	s17 =	simm.s32 $0x7;
	s18 =	simm.s32 $0x8;
	s19 =	simm.s32 $0x0  }
.LBB2_1:
0x22: {  	s20 =	rddreg [dreg:$0x5]  }
0x23: {  	[tilespmem:s22], [sflag:$0x1] =	stream.linear.gather [hbm4b:s20+s3], $0x1000, $0x38;
	[tilespmem:$0x1D100] =	vst v63  }
0x24: {  	_ = 	snop  }
0x25: {  	[tilespmem:s3], [sflag:$0x1] =	stream.linear.gather [hbm4b:s5+s3], $0x6000, $0x38;
	[tilespmem:$0x1D100] =	vst v63  }
0x26: {  	s29 =	rddreg [dreg:$0x6];
	s21 =	simm.s32 $0x200;
	s20 =	simm.s32 $0x0  }
0x27: {  	[tilespmem:s30], [sflag:$0x2] =	stream.linear.gather [hbm4b:s29+s3], $0x6000, $0x38;
	[tilespmem:$0x1D100] =	vst v63  }
.LBB2_2:
0x28: {  	p2 =	sne.s32 s21, $0x3E00;
	[tilespmem:s20+$0x1B170] =	vst v0  }
0x29: {  	[tilespmem:s20+$0x1B100] =	vst v0  }
0x2a: {  	[tilespmem:s20+$0x1B110] =	vst v0  }
.Ltmp0:
0x2b: {  	[tilespmem:s20+$0x1B120] =	vst v0;
	(pc) =	sbr.rel @p2 .LBB2_2-.Ltmp0, $4  }
0x2c: {  	[tilespmem:s20+$0x1B130] =	vst v0  }
0x2d: {  	[tilespmem:s20+$0x1B140] =	vst v0  }
0x2e: {  	[tilespmem:s20+$0x1B150] =	vst v0  }
0x2f: {  	[tilespmem:s20+$0x1B160] =	vst v0;
	s20 =	sshra.s32 s21, $0x2;
	s21 =	sadd.s32 $0x200, s21  }
0x30: {  	[tilespmem:s20+$0x1B170] =	vst v0  }
0x31: {  	[tilespmem:s20+$0x1B100] =	vst v0  }
0x32: {  	[tilespmem:s20+$0x1B110] =	vst v0  }
0x33: {  	[tilespmem:s20+$0x1B120] =	vst v0  }
0x34: {  	[tilespmem:s20+$0x1B130] =	vst v0  }
0x35: {  	[tilespmem:s20+$0x1B140] =	vst v0  }
0x36: {  	[tilespmem:s20+$0x1B150] =	vst v0  }
0x37: {  	[tilespmem:s20+$0x1B160] =	vst v0;
	s23 =	simm.s32 $0x1B100  }
0x38: {  	[spmem:s7] =	stream.linear.scatter [tilespmem:s23], [sflag:$0x9], $0x1000, $0x38;
	[tilespmem:$0x1D100] =	vst v63  }
0x39: {  	_ =	swait.ge [sflag:s0], $0x1000  }
0x3a: {  	[sflag:s0] =	ssyncset.done $0x0  }
0x3b: {  	[sflag:s0] =	ssyncadd.s32 $0xFFFFF000  }
0x3c: {  	_ =	swait.ge [sflag:s1], $0x1000  }
0x3d: {  	[sflag:s1] =	ssyncset.done $0x0  }
0x3e: {  	[sflag:s1] =	ssyncadd.s32 $0xFFFFF000  }
0x3f: {  	[bflag:$0x0] =	sbarrier.arrive $0xFFFF  }
0x40: {  	_ =	swait.ge [sflag:s1], $0x6000  }
0x41: {  	[sflag:s1] =	ssyncset.done $0x0  }
0x42: {  	[sflag:s1] =	ssyncadd.s32 $0xFFFFA000  }
0x43: {  	[spmem:s2] =	stream.indirect.scatter.add.f32 [tilespmem:s3], [sflag:$0x5], $0x80, s22, s31, $0xb8;
	[tilespmem:$0x1D100] =	vst v63  }
0x44: {  	s29 =	simm.s32 $0x18080  }
0x45: {  	[spmem:s2] =	stream.indirect.scatter.add.f32 [tilespmem:s4], [sflag:$0x5], $0x80, s29, s31, $0xb8;
	[tilespmem:$0x1D100] =	vst v63  }
0x46: {  	s21 =	rddreg [dreg:$0x7]  }
0x47: {  	[tilespmem:s6], [sflag:$0x3] =	stream.linear.gather [hbm4b:s21+s3], $0x6000, $0x38;
	[tilespmem:$0x1D100] =	vst v63  }
0x48: {  	_ =	swait.ge [sflag:s8], $0x6000  }
0x49: {  	[sflag:s8] =	ssyncset.done $0x0  }
0x4a: {  	s22 =	simm.s32 $0x18100;
	[sflag:s8] =	ssyncadd.s32 $0xFFFFA000  }
0x4b: {  	[spmem:s2] =	stream.indirect.scatter.add.f32 [tilespmem:s30], [sflag:$0x6], $0x80, s22, s31, $0xb8;
	[tilespmem:$0x1D100] =	vst v63  }
0x4c: {  	s23 =	simm.s32 $0x18180  }
0x4d: {  	[spmem:s2] =	stream.indirect.scatter.add.f32 [tilespmem:s9], [sflag:$0x6], $0x80, s23, s31, $0xb8;
	[tilespmem:$0x1D100] =	vst v63  }
0x4e: {  	s29 =	rddreg [dreg:$0x8]  }
0x4f: {  	[tilespmem:s10], [sflag:$0x4] =	stream.linear.gather [hbm4b:s29+s3], $0x6000, $0x38;
	[tilespmem:$0x1D100] =	vst v63  }
0x50: {  	_ =	swait.ge [sflag:s11], $0x6000  }
0x51: {  	[sflag:s11] =	ssyncset.done $0x0  }
0x52: {  	s21 =	simm.s32 $0x18200;
	[sflag:s11] =	ssyncadd.s32 $0xFFFFA000  }
0x53: {  	[spmem:s2] =	stream.indirect.scatter.add.f32 [tilespmem:s6], [sflag:$0x7], $0x80, s21, s31, $0xb8;
	[tilespmem:$0x1D100] =	vst v63  }
0x54: {  	s22 =	simm.s32 $0x18280  }
0x55: {  	[spmem:s2] =	stream.indirect.scatter.add.f32 [tilespmem:s12], [sflag:$0x7], $0x80, s22, s31, $0xb8;
	[tilespmem:$0x1D100] =	vst v63  }
0x56: {  	_ =	swait.ge [sflag:s13], $0x3000  }
0x57: {  	[sflag:s13] =	ssyncset.done $0x0  }
0x58: {  	[sflag:s13] =	ssyncadd.s32 $0xFFFFD000  }
0x59: {  	_ =	swait.ge [sflag:s13], $0x3000  }
0x5a: {  	[sflag:s13] =	ssyncset.done $0x0  }
0x5b: {  	[sflag:s13] =	ssyncadd.s32 $0xFFFFD000  }
0x5c: {  	[tilespmem:s3], [sflag:$0x1] =	stream.linear.gather [hbm4b:s26+s3], $0x6000, $0x38;
	[tilespmem:$0x1D100] =	vst v63  }
0x5d: {  	_ =	swait.ge [sflag:s14], $0x6000  }
0x5e: {  	[sflag:s14] =	ssyncset.done $0x0  }
0x5f: {  	s23 =	simm.s32 $0x18300;
	[sflag:s14] =	ssyncadd.s32 $0xFFFFA000  }
0x60: {  	[spmem:s2] =	stream.indirect.scatter.add.f32 [tilespmem:s10], [sflag:$0x8], $0x80, s23, s31, $0xb8;
	[tilespmem:$0x1D100] =	vst v63  }
0x61: {  	s29 =	simm.s32 $0x18380  }
0x62: {  	[spmem:s2] =	stream.indirect.scatter.add.f32 [tilespmem:s15], [sflag:$0x8], $0x80, s29, s31, $0xb8;
	[tilespmem:$0x1D100] =	vst v63  }
0x63: {  	_ =	swait.ge [sflag:s16], $0x3000  }
0x64: {  	[sflag:s16] =	ssyncset.done $0x0  }
0x65: {  	[sflag:s16] =	ssyncadd.s32 $0xFFFFD000  }
0x66: {  	_ =	swait.ge [sflag:s16], $0x3000  }
0x67: {  	[sflag:s16] =	ssyncset.done $0x0  }
0x68: {  	[sflag:s16] =	ssyncadd.s32 $0xFFFFD000  }
0x69: {  	[tilespmem:s30], [sflag:$0x2] =	stream.linear.gather [hbm4b:s28+s3], $0x6000, $0x38;
	[tilespmem:$0x1D100] =	vst v63  }
0x6a: {  	_ =	swait.ge [sflag:s1], $0x6000  }
0x6b: {  	[sflag:s1] =	ssyncset.done $0x0  }
0x6c: {  	s21 =	simm.s32 $0x18400;
	[sflag:s1] =	ssyncadd.s32 $0xFFFFA000  }
0x6d: {  	[spmem:s2] =	stream.indirect.scatter.add.f32 [tilespmem:s3], [sflag:$0x5], $0x80, s21, s31, $0xb8;
	[tilespmem:$0x1D100] =	vst v63  }
0x6e: {  	s22 =	simm.s32 $0x18480  }
0x6f: {  	[spmem:s2] =	stream.indirect.scatter.add.f32 [tilespmem:s4], [sflag:$0x5], $0x80, s22, s31, $0xb8;
	[tilespmem:$0x1D100] =	vst v63  }
0x70: {  	_ =	swait.ge [sflag:s17], $0x3000  }
0x71: {  	[sflag:s17] =	ssyncset.done $0x0  }
0x72: {  	[sflag:s17] =	ssyncadd.s32 $0xFFFFD000  }
0x73: {  	_ =	swait.ge [sflag:s17], $0x3000  }
0x74: {  	[sflag:s17] =	ssyncset.done $0x0  }
0x75: {  	s23 =	rddreg [dreg:$0x9];
	[sflag:s17] =	ssyncadd.s32 $0xFFFFD000  }
0x76: {  	[tilespmem:s6], [sflag:$0x3] =	stream.linear.gather [hbm4b:s23+s3], $0x6000, $0x38;
	[tilespmem:$0x1D100] =	vst v63  }
0x77: {  	_ =	swait.ge [sflag:s8], $0x6000  }
0x78: {  	[sflag:s8] =	ssyncset.done $0x0  }
0x79: {  	s29 =	simm.s32 $0x18500;
	[sflag:s8] =	ssyncadd.s32 $0xFFFFA000  }
0x7a: {  	[spmem:s2] =	stream.indirect.scatter.add.f32 [tilespmem:s30], [sflag:$0x6], $0x80, s29, s31, $0xb8;
	[tilespmem:$0x1D100] =	vst v63  }
0x7b: {  	s21 =	simm.s32 $0x18580  }
0x7c: {  	[spmem:s2] =	stream.indirect.scatter.add.f32 [tilespmem:s9], [sflag:$0x6], $0x80, s21, s31, $0xb8;
	[tilespmem:$0x1D100] =	vst v63  }
0x7d: {  	_ =	swait.ge [sflag:s18], $0x3000  }
0x7e: {  	[sflag:s18] =	ssyncset.done $0x0  }
0x7f: {  	[sflag:s18] =	ssyncadd.s32 $0xFFFFD000  }
0x80: {  	_ =	swait.ge [sflag:s18], $0x3000  }
0x81: {  	[sflag:s18] =	ssyncset.done $0x0  }
0x82: {  	s22 =	rddreg [dreg:$0xa];
	[sflag:s18] =	ssyncadd.s32 $0xFFFFD000  }
0x83: {  	[tilespmem:s10], [sflag:$0x4] =	stream.linear.gather [hbm4b:s22+s3], $0x6000, $0x38;
	[tilespmem:$0x1D100] =	vst v63  }
0x84: {  	_ =	swait.ge [sflag:s11], $0x6000  }
0x85: {  	[sflag:s11] =	ssyncset.done $0x0  }
0x86: {  	s23 =	simm.s32 $0x18600;
	[sflag:s11] =	ssyncadd.s32 $0xFFFFA000  }
0x87: {  	[spmem:s2] =	stream.indirect.scatter.add.f32 [tilespmem:s6], [sflag:$0x7], $0x80, s23, s31, $0xb8;
	[tilespmem:$0x1D100] =	vst v63  }
0x88: {  	s29 =	simm.s32 $0x18680  }
0x89: {  	[spmem:s2] =	stream.indirect.scatter.add.f32 [tilespmem:s12], [sflag:$0x7], $0x80, s29, s31, $0xb8;
	[tilespmem:$0x1D100] =	vst v63  }
0x8a: {  	_ =	swait.ge [sflag:s13], $0x3000  }
0x8b: {  	[sflag:s13] =	ssyncset.done $0x0  }
0x8c: {  	[sflag:s13] =	ssyncadd.s32 $0xFFFFD000  }
0x8d: {  	_ =	swait.ge [sflag:s13], $0x3000  }
0x8e: {  	[sflag:s13] =	ssyncset.done $0x0  }
0x8f: {  	s21 =	rddreg [dreg:$0xb];
	[sflag:s13] =	ssyncadd.s32 $0xFFFFD000  }
0x90: {  	[tilespmem:s3], [sflag:$0x1] =	stream.linear.gather [hbm4b:s21+s3], $0x6000, $0x38;
	[tilespmem:$0x1D100] =	vst v63  }
0x91: {  	_ =	swait.ge [sflag:s14], $0x6000  }
0x92: {  	[sflag:s14] =	ssyncset.done $0x0  }
0x93: {  	s22 =	simm.s32 $0x18700;
	[sflag:s14] =	ssyncadd.s32 $0xFFFFA000  }
0x94: {  	[spmem:s2] =	stream.indirect.scatter.add.f32 [tilespmem:s10], [sflag:$0x8], $0x80, s22, s31, $0xb8;
	[tilespmem:$0x1D100] =	vst v63  }
0x95: {  	s23 =	simm.s32 $0x18780  }
0x96: {  	[spmem:s2] =	stream.indirect.scatter.add.f32 [tilespmem:s15], [sflag:$0x8], $0x80, s23, s31, $0xb8;
	[tilespmem:$0x1D100] =	vst v63  }
0x97: {  	_ =	swait.ge [sflag:s16], $0x3000  }
0x98: {  	[sflag:s16] =	ssyncset.done $0x0  }
0x99: {  	[sflag:s16] =	ssyncadd.s32 $0xFFFFD000  }
0x9a: {  	_ =	swait.ge [sflag:s16], $0x3000  }
0x9b: {  	[sflag:s16] =	ssyncset.done $0x0  }
0x9c: {  	s29 =	rddreg [dreg:$0xc];
	[sflag:s16] =	ssyncadd.s32 $0xFFFFD000  }
0x9d: {  	[tilespmem:s30], [sflag:$0x2] =	stream.linear.gather [hbm4b:s29+s3], $0x6000, $0x38;
	[tilespmem:$0x1D100] =	vst v63  }
0x9e: {  	_ =	swait.ge [sflag:s1], $0x6000  }
0x9f: {  	[sflag:s1] =	ssyncset.done $0x0  }
0xa0: {  	s21 =	simm.s32 $0x18800;
	[sflag:s1] =	ssyncadd.s32 $0xFFFFA000  }
0xa1: {  	[spmem:s2] =	stream.indirect.scatter.add.f32 [tilespmem:s3], [sflag:$0x5], $0x80, s21, s31, $0xb8;
	[tilespmem:$0x1D100] =	vst v63  }
0xa2: {  	s22 =	simm.s32 $0x18880  }
0xa3: {  	[spmem:s2] =	stream.indirect.scatter.add.f32 [tilespmem:s4], [sflag:$0x5], $0x80, s22, s31, $0xb8;
	[tilespmem:$0x1D100] =	vst v63  }
0xa4: {  	_ =	swait.ge [sflag:s17], $0x3000  }
0xa5: {  	[sflag:s17] =	ssyncset.done $0x0  }
0xa6: {  	[sflag:s17] =	ssyncadd.s32 $0xFFFFD000  }
0xa7: {  	_ =	swait.ge [sflag:s17], $0x3000  }
0xa8: {  	[sflag:s17] =	ssyncset.done $0x0  }
0xa9: {  	s23 =	rddreg [dreg:$0xd];
	[sflag:s17] =	ssyncadd.s32 $0xFFFFD000  }
0xaa: {  	[tilespmem:s6], [sflag:$0x3] =	stream.linear.gather [hbm4b:s23+s3], $0x6000, $0x38;
	[tilespmem:$0x1D100] =	vst v63  }
0xab: {  	_ =	swait.ge [sflag:s8], $0x6000  }
0xac: {  	[sflag:s8] =	ssyncset.done $0x0  }
0xad: {  	s29 =	simm.s32 $0x18900;
	[sflag:s8] =	ssyncadd.s32 $0xFFFFA000  }
0xae: {  	[spmem:s2] =	stream.indirect.scatter.add.f32 [tilespmem:s30], [sflag:$0x6], $0x80, s29, s31, $0xb8;
	[tilespmem:$0x1D100] =	vst v63  }
0xaf: {  	s21 =	simm.s32 $0x18980  }
0xb0: {  	[spmem:s2] =	stream.indirect.scatter.add.f32 [tilespmem:s9], [sflag:$0x6], $0x80, s21, s31, $0xb8;
	[tilespmem:$0x1D100] =	vst v63  }
0xb1: {  	_ =	swait.ge [sflag:s18], $0x3000  }
0xb2: {  	[sflag:s18] =	ssyncset.done $0x0  }
0xb3: {  	[sflag:s18] =	ssyncadd.s32 $0xFFFFD000  }
0xb4: {  	_ =	swait.ge [sflag:s18], $0x3000  }
0xb5: {  	[sflag:s18] =	ssyncset.done $0x0  }
0xb6: {  	s22 =	rddreg [dreg:$0xe];
	[sflag:s18] =	ssyncadd.s32 $0xFFFFD000  }
0xb7: {  	[tilespmem:s10], [sflag:$0x4] =	stream.linear.gather [hbm4b:s22+s3], $0x6000, $0x38;
	[tilespmem:$0x1D100] =	vst v63  }
0xb8: {  	_ =	swait.ge [sflag:s11], $0x6000  }
0xb9: {  	[sflag:s11] =	ssyncset.done $0x0  }
0xba: {  	s23 =	simm.s32 $0x18A00;
	[sflag:s11] =	ssyncadd.s32 $0xFFFFA000  }
0xbb: {  	[spmem:s2] =	stream.indirect.scatter.add.f32 [tilespmem:s6], [sflag:$0x7], $0x80, s23, s31, $0xb8;
	[tilespmem:$0x1D100] =	vst v63  }
0xbc: {  	s29 =	simm.s32 $0x18A80  }
0xbd: {  	[spmem:s2] =	stream.indirect.scatter.add.f32 [tilespmem:s12], [sflag:$0x7], $0x80, s29, s31, $0xb8;
	[tilespmem:$0x1D100] =	vst v63  }
0xbe: {  	_ =	swait.ge [sflag:s13], $0x3000  }
0xbf: {  	[sflag:s13] =	ssyncset.done $0x0  }
0xc0: {  	[sflag:s13] =	ssyncadd.s32 $0xFFFFD000  }
0xc1: {  	_ =	swait.ge [sflag:s13], $0x3000  }
0xc2: {  	[sflag:s13] =	ssyncset.done $0x0  }
0xc3: {  	s21 =	rddreg [dreg:$0xf];
	[sflag:s13] =	ssyncadd.s32 $0xFFFFD000  }
0xc4: {  	[tilespmem:s3], [sflag:$0x1] =	stream.linear.gather [hbm4b:s21+s3], $0x6000, $0x38;
	[tilespmem:$0x1D100] =	vst v63  }
0xc5: {  	_ =	swait.ge [sflag:s14], $0x6000  }
0xc6: {  	[sflag:s14] =	ssyncset.done $0x0  }
0xc7: {  	s22 =	simm.s32 $0x18B00;
	[sflag:s14] =	ssyncadd.s32 $0xFFFFA000  }
0xc8: {  	[spmem:s2] =	stream.indirect.scatter.add.f32 [tilespmem:s10], [sflag:$0x8], $0x80, s22, s31, $0xb8;
	[tilespmem:$0x1D100] =	vst v63  }
0xc9: {  	s23 =	simm.s32 $0x18B80  }
0xca: {  	[spmem:s2] =	stream.indirect.scatter.add.f32 [tilespmem:s15], [sflag:$0x8], $0x80, s23, s31, $0xb8;
	[tilespmem:$0x1D100] =	vst v63  }
0xcb: {  	_ =	swait.ge [sflag:s16], $0x3000  }
0xcc: {  	[sflag:s16] =	ssyncset.done $0x0  }
0xcd: {  	[sflag:s16] =	ssyncadd.s32 $0xFFFFD000  }
0xce: {  	_ =	swait.ge [sflag:s16], $0x3000  }
0xcf: {  	[sflag:s16] =	ssyncset.done $0x0  }
0xd0: {  	s29 =	rddreg [dreg:$0x10];
	[sflag:s16] =	ssyncadd.s32 $0xFFFFD000  }
0xd1: {  	[tilespmem:s30], [sflag:$0x2] =	stream.linear.gather [hbm4b:s29+s3], $0x6000, $0x38;
	[tilespmem:$0x1D100] =	vst v63  }
0xd2: {  	_ =	swait.ge [sflag:s1], $0x6000  }
0xd3: {  	[sflag:s1] =	ssyncset.done $0x0  }
0xd4: {  	s21 =	simm.s32 $0x18C00;
	[sflag:s1] =	ssyncadd.s32 $0xFFFFA000  }
0xd5: {  	[spmem:s2] =	stream.indirect.scatter.add.f32 [tilespmem:s3], [sflag:$0x5], $0x80, s21, s31, $0xb8;
	[tilespmem:$0x1D100] =	vst v63  }
0xd6: {  	s22 =	simm.s32 $0x18C80  }
0xd7: {  	[spmem:s2] =	stream.indirect.scatter.add.f32 [tilespmem:s4], [sflag:$0x5], $0x80, s22, s31, $0xb8;
	[tilespmem:$0x1D100] =	vst v63  }
0xd8: {  	_ =	swait.ge [sflag:s17], $0x3000  }
0xd9: {  	[sflag:s17] =	ssyncset.done $0x0  }
0xda: {  	[sflag:s17] =	ssyncadd.s32 $0xFFFFD000  }
0xdb: {  	_ =	swait.ge [sflag:s17], $0x3000  }
0xdc: {  	[sflag:s17] =	ssyncset.done $0x0  }
0xdd: {  	s23 =	rddreg [dreg:$0x11];
	[sflag:s17] =	ssyncadd.s32 $0xFFFFD000  }
0xde: {  	[tilespmem:s6], [sflag:$0x3] =	stream.linear.gather [hbm4b:s23+s3], $0x6000, $0x38;
	[tilespmem:$0x1D100] =	vst v63  }
0xdf: {  	_ =	swait.ge [sflag:s8], $0x6000  }
0xe0: {  	[sflag:s8] =	ssyncset.done $0x0  }
0xe1: {  	s29 =	simm.s32 $0x18D00;
	[sflag:s8] =	ssyncadd.s32 $0xFFFFA000  }
0xe2: {  	[spmem:s2] =	stream.indirect.scatter.add.f32 [tilespmem:s30], [sflag:$0x6], $0x80, s29, s31, $0xb8;
	[tilespmem:$0x1D100] =	vst v63  }
0xe3: {  	s21 =	simm.s32 $0x18D80  }
0xe4: {  	[spmem:s2] =	stream.indirect.scatter.add.f32 [tilespmem:s9], [sflag:$0x6], $0x80, s21, s31, $0xb8;
	[tilespmem:$0x1D100] =	vst v63  }
0xe5: {  	_ =	swait.ge [sflag:s18], $0x3000  }
0xe6: {  	[sflag:s18] =	ssyncset.done $0x0  }
0xe7: {  	[sflag:s18] =	ssyncadd.s32 $0xFFFFD000  }
0xe8: {  	_ =	swait.ge [sflag:s18], $0x3000  }
0xe9: {  	[sflag:s18] =	ssyncset.done $0x0  }
0xea: {  	s22 =	rddreg [dreg:$0x12];
	[sflag:s18] =	ssyncadd.s32 $0xFFFFD000  }
0xeb: {  	[tilespmem:s10], [sflag:$0x4] =	stream.linear.gather [hbm4b:s22+s3], $0x6000, $0x38;
	[tilespmem:$0x1D100] =	vst v63  }
0xec: {  	_ =	swait.ge [sflag:s11], $0x6000  }
0xed: {  	[sflag:s11] =	ssyncset.done $0x0  }
0xee: {  	s23 =	simm.s32 $0x18E00;
	[sflag:s11] =	ssyncadd.s32 $0xFFFFA000  }
0xef: {  	[spmem:s2] =	stream.indirect.scatter.add.f32 [tilespmem:s6], [sflag:$0x7], $0x80, s23, s31, $0xb8;
	[tilespmem:$0x1D100] =	vst v63  }
0xf0: {  	s29 =	simm.s32 $0x18E80  }
0xf1: {  	[spmem:s2] =	stream.indirect.scatter.add.f32 [tilespmem:s12], [sflag:$0x7], $0x80, s29, s31, $0xb8;
	[tilespmem:$0x1D100] =	vst v63  }
0xf2: {  	_ =	swait.ge [sflag:s14], $0x6000  }
0xf3: {  	[sflag:s14] =	ssyncset.done $0x0  }
0xf4: {  	s21 =	simm.s32 $0x18F00;
	[sflag:s14] =	ssyncadd.s32 $0xFFFFA000  }
0xf5: {  	[spmem:s2] =	stream.indirect.scatter.add.f32 [tilespmem:s10], [sflag:$0x8], $0x80, s21, s31, $0xb8;
	[tilespmem:$0x1D100] =	vst v63  }
0xf6: {  	s22 =	simm.s32 $0x18F80  }
0xf7: {  	[spmem:s2] =	stream.indirect.scatter.add.f32 [tilespmem:s15], [sflag:$0x8], $0x80, s22, s31, $0xb8;
	[tilespmem:$0x1D100] =	vst v63  }
0xf8: {  	_ =	swait.ge [sflag:s13], $0x3000  }
0xf9: {  	[sflag:s13] =	ssyncset.done $0x0  }
0xfa: {  	[sflag:s13] =	ssyncadd.s32 $0xFFFFD000  }
0xfb: {  	_ =	swait.ge [sflag:s13], $0x3000  }
0xfc: {  	[sflag:s13] =	ssyncset.done $0x0  }
0xfd: {  	[sflag:s13] =	ssyncadd.s32 $0xFFFFD000  }
0xfe: {  	_ =	swait.ge [sflag:s16], $0x3000  }
0xff: {  	[sflag:s16] =	ssyncset.done $0x0  }
0x100: {  	[sflag:s16] =	ssyncadd.s32 $0xFFFFD000  }
0x101: {  	_ =	swait.ge [sflag:s16], $0x3000  }
0x102: {  	[sflag:s16] =	ssyncset.done $0x0  }
0x103: {  	[sflag:s16] =	ssyncadd.s32 $0xFFFFD000  }
0x104: {  	_ =	swait.ge [sflag:s17], $0x3000  }
0x105: {  	[sflag:s17] =	ssyncset.done $0x0  }
0x106: {  	[sflag:s17] =	ssyncadd.s32 $0xFFFFD000  }
0x107: {  	_ =	swait.ge [sflag:s17], $0x3000  }
0x108: {  	[sflag:s17] =	ssyncset.done $0x0  }
0x109: {  	[sflag:s17] =	ssyncadd.s32 $0xFFFFD000  }
0x10a: {  	_ =	swait.ge [sflag:s18], $0x3000  }
0x10b: {  	[sflag:s18] =	ssyncset.done $0x0  }
0x10c: {  	[sflag:s18] =	ssyncadd.s32 $0xFFFFD000  }
0x10d: {  	_ =	swait.ge [sflag:s18], $0x3000  }
0x10e: {  	s20 =	simm.s32 @!p1 $0x0;
	[sflag:s18] =	ssyncset.done $0x0  }
0x10f: {  	s21 =	simm.s32 @!p1 $0x19080;
	s22 =	rddreg [dreg:$0x14];
	[sflag:s18] =	ssyncadd.s32 $0xFFFFD000  }
0x110: {  	[tilespmem:s21], [sflag:$0x9] =	stream.linear.gather @!p1 [hbm4b:s22+s20], $0x40, $0x38;
	[tilespmem:$0x1D100] =	vst v63  }
0x111: {  	s22 =	simm.s32 @!p1 $0x9  }
0x112: {  	_ =	swait.ge @!p1 [sflag:s22], $0x40  }
0x113: {  	[sflag:s22] =	ssyncset.done @!p1 $0x0  }
0x114: {  	s23 =	simm.s32 @!p1 $0x19100;
	s29 =	rddreg [dreg:$0x16];
	[sflag:s22] =	ssyncadd.s32 @!p1 $0xFFFFFFC0  }
0x115: {  	[tilespmem:s23], [sflag:$0x9] =	stream.linear.gather @!p1 [hbm4b:s29+s20], $0x2000, $0x38;
	[tilespmem:$0x1D100] =	vst v63  }
0x116: {  	_ =	swait.ge @!p1 [sflag:s22], $0x2000  }
0x117: {  	[sflag:s22] =	ssyncset.done @!p1 $0x0  }
0x118: {  	s20 =	simm.s32 @!p1 $0x40;
	[sflag:s22] =	ssyncadd.s32 @!p1 $0xFFFFE000  }
0x119: {  	[spmem:s2] =	stream.indirect.scatter.add.f32 @!p1 [tilespmem:s23], [sflag:$0x9], $0x80, s21, s20, $0xb8;
	[tilespmem:$0x1D100] =	vst v63  }
0x11a: {  	_ =	swait.ge @!p1 [sflag:s22], $0x2000  }
0x11b: {  	s20 =	simm.s32 @!p0 $0x0;
	[sflag:s22] =	ssyncset.done @!p1 $0x0  }
0x11c: {  	s21 =	simm.s32 @!p0 $0x19000;
	[sflag:s22] =	ssyncadd.s32 @!p1 $0xFFFFE000;
	s22 =	rddreg [dreg:$0x13]  }
0x11d: {  	[tilespmem:s21], [sflag:$0x9] =	stream.linear.gather @!p0 [hbm4b:s22+s20], $0x60, $0x38;
	[tilespmem:$0x1D100] =	vst v63  }
0x11e: {  	s22 =	simm.s32 @!p0 $0x9  }
0x11f: {  	_ =	swait.ge @!p0 [sflag:s22], $0x60  }
0x120: {  	[sflag:s22] =	ssyncset.done @!p0 $0x0  }
0x121: {  	s23 =	rddreg [dreg:$0x15];
	[sflag:s22] =	ssyncadd.s32 @!p0 $0xFFFFFFA0  }
0x122: {  	[tilespmem:s20], [sflag:$0x9] =	stream.linear.gather @!p0 [hbm4b:s23+s20], $0x3000, $0x38;
	[tilespmem:$0x1D100] =	vst v63  }
0x123: {  	_ =	swait.ge @!p0 [sflag:s22], $0x3000  }
0x124: {  	[sflag:s22] =	ssyncset.done @!p0 $0x0  }
0x125: {  	s23 =	simm.s32 @!p0 $0x60;
	[sflag:s22] =	ssyncadd.s32 @!p0 $0xFFFFD000  }
0x126: {  	[spmem:s2] =	stream.indirect.scatter.add.f32 @!p0 [tilespmem:s20], [sflag:$0x9], $0x80, s21, s23, $0xb8;
	[tilespmem:$0x1D100] =	vst v63  }
0x127: {  	s19 =	sadd.s32 $0x1, s19;
	_ =	swait.ge @!p0 [sflag:s22], $0x3000  }
0x128: {  	p2 =	sne.s32 s19, s25;
	s23 =	stileid.u32;
	[sflag:s22] =	ssyncset.done @!p0 $0x0  }
0x129: {  	s29 =	sshrl.u32 s7, $0x3;
	s20 =	sshll.u32 s23, $0x6;
	[sflag:s22] =	ssyncadd.s32 @!p0 $0xFFFFD000  }
.Ltmp1:
0x12a: {  	s20 =	sor.u32 $0x1C09, s20;
	[bflag:$0x0] =	sbarrier.arrive $0xFFFF;
	(pc) =	sbr.rel @p2 .LBB2_1-.Ltmp1, $4  }
0x12b: {  	[hbm:s24], [sflag:s20] =	dma.local [spmem:s29], $0x200  }
0x12c: {  	_ =	swait.ge [sflag:s0], $0x200  }
0x12d: {  	[sflag:s0] =	ssyncset.done $0x0  }
0x12e: {  	s22 =	simm.s32 $0x18000;
	[sflag:s0] =	ssyncadd.s32 $0xFFFFFE00  }
0x12f: {  	_ =	sfence.sel $0x180000  }
0x130: {  	[bflag:$0x0] =	sbarrier.arrive $0xFFFF  }
0x131: {  	_ =	strace $0x90000047  }
0x132: {  	s0 =	stileid.u32;
	[bflag:$0x2] =	sbarrier.arrive $0xFFFF  }
0x133: {  	p0 =	sne.s32 s0, $0x0;
	s0 =	rddreg [dreg:$0x4]  }
0x134: {  	s0 =	sadd.s32 @!p0 $0x100000, s0  }
0x135: {  	[sflag:s0] =	ssyncadd.tile.s32 @!p0 $0x1;
	_ =	shalt  }
.Lfunc_end2:
_tile_overlayer_lowered:
.L_overlay_start_2:
0x136: {  	(tag) =	ssettag $0x2  }
0x137: {  	s0 =	rddreg [dreg:$0x0];
	s2 =	stileid.u32  }
0x138: {  	s1 =	rddreg [dreg:$0x1];
	p0 =	sne.s32 s2, $0x0  }
0x139: {  	s3 =	rddreg [dreg:$0x2];
	[bflag:$0x3] =	sbarrier.arrive $0xFFFF;
	s2 =	simm.s32 @!p0 $0x1C09  }
0x13a: {  	[timem:s3], [sflag:s2] =	dma.local @!p0 [hbm:s0], s1  }
0x13b: {  	s0 =	simm.s32 @!p0 $0x9  }
0x13c: {  	_ =	swait.ge @!p0 [sflag:s0], s1  }
0x13d: {  	s1 =	ssub.s32 @!p0 $0x0, s1;
	[sflag:s0] =	ssyncset.done @!p0 $0x0  }
0x13e: {  	[sflag:s0] =	ssyncadd.s32 @!p0 s1  }
0x13f: {  	[bflag:$0x3] =	sbarrier.arrive $0xFFFF  }
0x140: {  	_ =	shalt  }

</sc_bundles>
